<compile_context>
chip_gen: v7x
topology: tpu7x:2x2x1
jax: 0.10.2.dev20260603
libtpu: 0.0.44.dev20260713+nightly
codegen_flags: <defaults>
</compile_context>

<pallas_src>
import functools
import jax
import jax.numpy as jnp
from jax import lax
from jax.experimental import pallas as pl
from jax.experimental.pallas import tpu as pltpu
from jax.experimental.pallas import tpu_sc as plsc

_BLOCK = 2560
_NC = 2
_NS = 16
_NW = _NC * _NS
_SC_M = 2560
_APW = _SC_M // _NW
_NP = 208



def _tc_block(gt_ref, anc_ref, u_ref, mas_ref, match_ref, label_ref):
    gt = gt_ref[...]
    gx0 = gt[:, 0:1]
    gy0 = gt[:, 1:2]
    gx1 = gt[:, 2:3]
    gy1 = gt[:, 3:4]
    anc = anc_ref[...]
    ax0 = anc[0:1, :]
    ay0 = anc[1:2, :]
    ax1 = anc[2:3, :]
    ay1 = anc[3:4, :]
    u = u_ref[...]
    mas = mas_ref[0, 0]

    gt_upper = jnp.maximum(gx1 - gx0, gy1 - gy0) * 2.0
    gt_upper = jnp.where(gt_upper < mas, mas, gt_upper)
    gcx = (gx0 + gx1) / 2.0
    gcy = (gy0 + gy1) / 2.0
    an_size = jnp.maximum(ax1 - ax0, ay1 - ay0) - u
    acx = (ax0 + ax1) / 2.0
    acy = (ay0 + ay1) / 2.0
    uu = u * u

    m = jnp.minimum(gx0 - ax0, gy0 - ay0)
    m = jnp.minimum(m, ax1 - gx1)
    m = jnp.minimum(m, ay1 - gy1)
    m = jnp.minimum(m, gt_upper - an_size)
    dx = gcx - acx
    dy = gcy - acy
    m = jnp.minimum(m, uu - (dx * dx + dy * dy))
    assign = m >= 0.0

    n = gt.shape[0]
    iota = lax.broadcasted_iota(jnp.int32, assign.shape, 0)
    first = jnp.min(jnp.where(assign, iota, n), axis=0, keepdims=True)
    cnt = jnp.sum(jnp.where(assign, 1, 0), axis=0, keepdims=True)
    match_ref[...] = jnp.where(first == n, 0, first)
    label_ref[...] = (cnt == 1).astype(jnp.int8)


def _tc_part(gt_boxes, anc_t, u2, mas, m):
    n = gt_boxes.shape[0]
    return pl.pallas_call(
        _tc_block,
        grid=(pl.cdiv(m, _BLOCK),),
        in_specs=[
            pl.BlockSpec((n, 4), lambda j: (0, 0)),
            pl.BlockSpec((4, _BLOCK), lambda j: (0, j)),
            pl.BlockSpec((1, _BLOCK), lambda j: (0, j)),
            pl.BlockSpec((1, 1), lambda j: (0, 0)),
        ],
        out_specs=[
            pl.BlockSpec((1, _BLOCK), lambda j: (0, j)),
            pl.BlockSpec((1, _BLOCK), lambda j: (0, j)),
        ],
        out_shape=[
            jax.ShapeDtypeStruct((1, m), jnp.int32),
            jax.ShapeDtypeStruct((1, m), jnp.int8),
        ],
        compiler_params=pltpu.CompilerParams(
            dimension_semantics=("parallel",),
            allow_input_fusion=[True, True, True, True],
        ),
    )(gt_boxes, anc_t, u2, mas)



def _sc_body(g0_h, g1_h, g2_h, g3_h, mas_h,
             a0_h, a1_h, a2_h, a3_h, u_h,
             match_h, cnt_h,
             g0v, g1v, g2v, g3v, masv,
             a0v, a1v, a2v, a3v, uv,
             matchv, cntv):
    wid = lax.axis_index("s") * _NC + lax.axis_index("c")
    base = wid * _APW
    pltpu.sync_copy(g0_h, g0v)
    pltpu.sync_copy(g1_h, g1v)
    pltpu.sync_copy(g2_h, g2v)
    pltpu.sync_copy(g3_h, g3v)
    pltpu.sync_copy(mas_h, masv)
    pltpu.sync_copy(a0_h.at[pl.ds(base, _APW)], a0v)
    pltpu.sync_copy(a1_h.at[pl.ds(base, _APW)], a1v)
    pltpu.sync_copy(a2_h.at[pl.ds(base, _APW)], a2v)
    pltpu.sync_copy(a3_h.at[pl.ds(base, _APW)], a3v)
    pltpu.sync_copy(u_h.at[pl.ds(base, _APW)], uv)
    mas = masv[pl.ds(0, 16)][0]

    def anchor_vec(a, _):
        s = a * 16
        vax0 = a0v[pl.ds(s, 16)]
        vay0 = a1v[pl.ds(s, 16)]
        vax1 = a2v[pl.ds(s, 16)]
        vay1 = a3v[pl.ds(s, 16)]
        vu = uv[pl.ds(s, 16)]
        an_size = jnp.maximum(vax1 - vax0, vay1 - vay0) - vu
        acx = (vax0 + vax1) * 0.5
        acy = (vay0 + vay1) * 0.5
        uu = vu * vu

        def gt_chunk(c, carry):
            first, cnt = carry
            t = c * 16
            vg0 = g0v[pl.ds(t, 16)]
            vg1 = g1v[pl.ds(t, 16)]
            vg2 = g2v[pl.ds(t, 16)]
            vg3 = g3v[pl.ds(t, 16)]
            for l in range(16):
                g0 = vg0[l]
                g1 = vg1[l]
                g2 = vg2[l]
                g3 = vg3[l]
                gup = jnp.maximum(jnp.maximum(g2 - g0, g3 - g1) * 2.0, mas)
                gcx = (g0 + g2) * 0.5
                gcy = (g1 + g3) * 0.5
                m = jnp.minimum(jnp.full((16,), g0, jnp.float32) - vax0,
                                jnp.full((16,), g1, jnp.float32) - vay0)
                m = jnp.minimum(m, vax1 - jnp.full((16,), g2, jnp.float32))
                m = jnp.minimum(m, vay1 - jnp.full((16,), g3, jnp.float32))
                m = jnp.minimum(m, jnp.full((16,), gup, jnp.float32) - an_size)
                dx = jnp.full((16,), gcx, jnp.float32) - acx
                dy = jnp.full((16,), gcy, jnp.float32) - acy
                m = jnp.minimum(m, uu - (dx * dx + dy * dy))
                ok = m >= 0.0
                idxv = jnp.full((16,), t + l, jnp.int32)
                first = jnp.minimum(first, jnp.where(ok, idxv, _NP))
                cnt = cnt + jnp.where(ok, 1, 0).astype(jnp.int32)
            return first, cnt

        first0 = jnp.full((16,), _NP, jnp.int32)
        cnt0 = jnp.zeros((16,), jnp.int32)
        first, cnt = lax.fori_loop(0, _NP // 16, gt_chunk, (first0, cnt0))
        matchv[pl.ds(s, 16)] = jnp.where(cnt > 0, first, 0)
        cntv[pl.ds(s, 16)] = cnt
        return _

    lax.fori_loop(0, _APW // 16, anchor_vec, 0)
    pltpu.sync_copy(matchv, match_h.at[pl.ds(base, _APW)])
    pltpu.sync_copy(cntv, cnt_h.at[pl.ds(base, _APW)])


def _sc_part(gt_boxes, anchor_sl, u_sl, mas16):
    n = gt_boxes.shape[0]
    g0 = jnp.pad(gt_boxes[:, 0], (0, _NP - n))
    g1 = jnp.pad(gt_boxes[:, 1], (0, _NP - n))
    g2 = jnp.pad(gt_boxes[:, 2], (0, _NP - n), constant_values=1e9)
    g3 = jnp.pad(gt_boxes[:, 3], (0, _NP - n))
    a0 = anchor_sl[:, 0]
    a1 = anchor_sl[:, 1]
    a2 = anchor_sl[:, 2]
    a3 = anchor_sl[:, 3]

    mesh = plsc.VectorSubcoreMesh(core_axis_name="c", subcore_axis_name="s")
    run = functools.partial(
        pl.kernel,
        mesh=mesh,
        out_type=[
            jax.ShapeDtypeStruct((_SC_M,), jnp.int32),
            jax.ShapeDtypeStruct((_SC_M,), jnp.int32),
        ],
        scratch_types=[
            pltpu.VMEM((_NP,), jnp.float32),
            pltpu.VMEM((_NP,), jnp.float32),
            pltpu.VMEM((_NP,), jnp.float32),
            pltpu.VMEM((_NP,), jnp.float32),
            pltpu.VMEM((16,), jnp.float32),
            pltpu.VMEM((_APW,), jnp.float32),
            pltpu.VMEM((_APW,), jnp.float32),
            pltpu.VMEM((_APW,), jnp.float32),
            pltpu.VMEM((_APW,), jnp.float32),
            pltpu.VMEM((_APW,), jnp.float32),
            pltpu.VMEM((_APW,), jnp.int32),
            pltpu.VMEM((_APW,), jnp.int32),
        ],
    )(_sc_body)
    return run(g0, g1, g2, g3, mas16, a0, a1, a2, a3, u_sl)



def kernel(gt_boxes, anchor_boxes, unit_lengths, min_anchor_size):
    m = anchor_boxes.shape[0]
    m_tc = m - _SC_M
    mas_f = jnp.asarray(min_anchor_size, jnp.float32)

    anc_t = anchor_boxes[:m_tc].T
    u2 = unit_lengths[:m_tc].reshape(1, m_tc)
    tc_match, tc_label = _tc_part(gt_boxes, anc_t, u2, mas_f.reshape(1, 1), m_tc)

    sc_match, sc_cnt = _sc_part(
        gt_boxes, anchor_boxes[m_tc:], unit_lengths[m_tc:],
        jnp.full((16,), mas_f))

    matches = jnp.concatenate([tc_match.reshape(m_tc), sc_match])
    labels = jnp.concatenate(
        [tc_label.reshape(m_tc), (sc_cnt == 1).astype(jnp.int8)])
    return (matches, labels)

# --- scband reference (transcript-rebuilt; emitter-appended) ---
"""Pipeline reference for scband-tensor-mask-64192581206511 (READ-ONLY COPY).

The authoritative reference and input builder live on the scoring server;
editing this copy changes nothing except your own understanding.
"""

import jax, jax.numpy as jnp
import numpy as np


def setup_inputs(seed: int = 0):
    key = jax.random.key(seed)
    k1, k2, k3, k4 = jax.random.split(key, 4)
    N, M = 200, 20000
    gt_ctr = jax.random.uniform(k1, (N, 2), dtype=jnp.float32) * 800.0 + 100.0
    gt_wh = jax.random.uniform(k2, (N, 2), dtype=jnp.float32) * 128.0 + 16.0
    gt_boxes = jnp.concatenate([gt_ctr - gt_wh / 2.0, gt_ctr + gt_wh / 2.0], axis=1)
    an_ctr = jax.random.uniform(k3, (M, 2), dtype=jnp.float32) * 800.0 + 100.0
    an_wh = jax.random.uniform(k4, (M, 2), dtype=jnp.float32) * 128.0 + 16.0
    anchor_boxes = jnp.concatenate([an_ctr - an_wh / 2.0, an_ctr + an_wh / 2.0], axis=1)
    unit_lengths = jnp.full((M,), 8.0, dtype=jnp.float32)
    return {
        "gt_boxes": gt_boxes,
        "anchor_boxes": anchor_boxes,
        "unit_lengths": unit_lengths,
        "min_anchor_size": 32,
    }


def reference(gt_boxes, anchor_boxes, unit_lengths, min_anchor_size):
    # Faithful JAX port of TensorMask _assignment_rule (arXiv:1903.12174),
    # the core pairwise box-matching kernel of the TensorMask detector.
    scale_thresh = 2.0
    spatial_thresh = 1.0
    uniqueness_on = True
    # containment: union of (gt, anchor) must equal the anchor box
    lt = jnp.minimum(gt_boxes[:, None, :2], anchor_boxes[None, :, :2])
    rb = jnp.maximum(gt_boxes[:, None, 2:], anchor_boxes[None, :, 2:])
    union = jnp.concatenate([lt, rb], axis=2)
    anchor = jnp.zeros_like(gt_boxes)[:, None, :] + anchor_boxes[None, :, :]
    contain_matrix = jnp.all(union == anchor, axis=2)
    # scale rule
    gt_size_lower = jnp.max(gt_boxes[:, 2:] - gt_boxes[:, :2], axis=1)
    gt_size_upper = gt_size_lower * scale_thresh
    min_anchor_size_f = jnp.asarray(min_anchor_size, dtype=jnp.float32)
    gt_size_upper = jnp.where(gt_size_upper < min_anchor_size_f, min_anchor_size_f, gt_size_upper)
    anchor_size = jnp.max(anchor_boxes[:, 2:] - anchor_boxes[:, :2], axis=1) - unit_lengths
    size_diff_upper = gt_size_upper[:, None] - anchor_size[None, :]
    scale_matrix = size_diff_upper >= 0
    # spatial rule
    gt_center = (gt_boxes[:, 2:] + gt_boxes[:, :2]) / 2.0
    anchor_center = (anchor_boxes[:, 2:] + anchor_boxes[:, :2]) / 2.0
    offset_center = (gt_center[:, None, :] - anchor_center[None, :, :]) / unit_lengths[None, :, None]
    spatial_square = spatial_thresh * spatial_thresh
    spatial_matrix = jnp.sum(offset_center * offset_center, axis=2) <= spatial_square
    assign_matrix = (contain_matrix & scale_matrix & spatial_matrix).astype(jnp.int32)
    matched_vals = jnp.max(assign_matrix, axis=0)
    matches = jnp.argmax(assign_matrix, axis=0)
    match_labels = jnp.where(matched_vals == 0, 0, 1).astype(jnp.int8)
    not_unique = jnp.sum(assign_matrix, axis=0) > 1
    if uniqueness_on:
        match_labels = jnp.where(not_unique, jnp.int8(0), match_labels)
    else:
        match_labels = jnp.where(not_unique, jnp.int8(-1), match_labels)
    return (matches, match_labels)

if __name__ == "__main__":
    import jax
    _d = setup_inputs()
    print(jax.jit(kernel)(*tuple(_d.values())))

</pallas_src>

<mosaic_0001>
#map = affine_map<(d0, d1) -> (0)>
module attributes {stable_mosaic.version = 14 : i64} {
  func.func @_sc_body(%arg0: i32, %arg1: i32, %arg2: memref<208xf32, #tpu.memory_space<hbm>>, %arg3: memref<208xf32, #tpu.memory_space<hbm>>, %arg4: memref<208xf32, #tpu.memory_space<hbm>>, %arg5: memref<208xf32, #tpu.memory_space<hbm>>, %arg6: memref<16xf32, #tpu.memory_space<hbm>>, %arg7: memref<2560xf32, #tpu.memory_space<hbm>>, %arg8: memref<2560xf32, #tpu.memory_space<hbm>>, %arg9: memref<2560xf32, #tpu.memory_space<hbm>>, %arg10: memref<2560xf32, #tpu.memory_space<hbm>>, %arg11: memref<2560xf32, #tpu.memory_space<hbm>>, %arg12: memref<2560xi32, #tpu.memory_space<hbm>>, %arg13: memref<2560xi32, #tpu.memory_space<hbm>>, %arg14: memref<208xf32, #tpu.memory_space<vmem>>, %arg15: memref<208xf32, #tpu.memory_space<vmem>>, %arg16: memref<208xf32, #tpu.memory_space<vmem>>, %arg17: memref<208xf32, #tpu.memory_space<vmem>>, %arg18: memref<16xf32, #tpu.memory_space<vmem>>, %arg19: memref<80xf32, #tpu.memory_space<vmem>>, %arg20: memref<80xf32, #tpu.memory_space<vmem>>, %arg21: memref<80xf32, #tpu.memory_space<vmem>>, %arg22: memref<80xf32, #tpu.memory_space<vmem>>, %arg23: memref<80xf32, #tpu.memory_space<vmem>>, %arg24: memref<80xi32, #tpu.memory_space<vmem>>, %arg25: memref<80xi32, #tpu.memory_space<vmem>>) attributes {dimension_semantics = [#tpu.dimension_semantics<core_parallel>, #tpu.dimension_semantics<subcore_parallel>], iteration_bounds = array<i64: 2, 16>, scalar_prefetch = 0 : i64, scratch_operands = 12 : i64, tpu.core_type = #tpu.core_type<sc_vector_subcore>, window_params = [{transform_indices = #map}, {transform_indices = #map}, {transform_indices = #map}, {transform_indices = #map}, {transform_indices = #map}, {transform_indices = #map}, {transform_indices = #map}, {transform_indices = #map}, {transform_indices = #map}, {transform_indices = #map}, {transform_indices = #map}, {transform_indices = #map}]} {
    %mul3A = arith.constant 2 : i32
    %mul3A_0 = arith.muli %arg1, %mul3A : i32
    %add3A = arith.addi %mul3A_0, %arg0 : i32
    %mul3A_1 = arith.constant 80 : i32
    %mul3A_2 = arith.muli %add3A, %mul3A_1 : i32
    "tpu.region"() ({
      %run_scoped3A = tpu.sem_alloc : memref<!tpu.dma_semaphore, #tpu.memory_space<semaphore_mem>>
      tpu.enqueue_dma source(%arg2 : memref<208xf32, #tpu.memory_space<hbm>>) target(%arg14 : memref<208xf32, #tpu.memory_space<vmem>>) target_semaphore(%run_scoped3A : memref<!tpu.dma_semaphore, #tpu.memory_space<semaphore_mem>>)
      tpu.wait_dma2 semaphore(%run_scoped3A : memref<!tpu.dma_semaphore, #tpu.memory_space<semaphore_mem>>) src(%arg2 : memref<208xf32, #tpu.memory_space<hbm>>) dst(%arg14 : memref<208xf32, #tpu.memory_space<vmem>>)
      tpu.yield
    }) : () -> ()
    "tpu.region"() ({
      %run_scoped3A = tpu.sem_alloc : memref<!tpu.dma_semaphore, #tpu.memory_space<semaphore_mem>>
      tpu.enqueue_dma source(%arg3 : memref<208xf32, #tpu.memory_space<hbm>>) target(%arg15 : memref<208xf32, #tpu.memory_space<vmem>>) target_semaphore(%run_scoped3A : memref<!tpu.dma_semaphore, #tpu.memory_space<semaphore_mem>>)
      tpu.wait_dma2 semaphore(%run_scoped3A : memref<!tpu.dma_semaphore, #tpu.memory_space<semaphore_mem>>) src(%arg3 : memref<208xf32, #tpu.memory_space<hbm>>) dst(%arg15 : memref<208xf32, #tpu.memory_space<vmem>>)
      tpu.yield
    }) : () -> ()
    "tpu.region"() ({
      %run_scoped3A = tpu.sem_alloc : memref<!tpu.dma_semaphore, #tpu.memory_space<semaphore_mem>>
      tpu.enqueue_dma source(%arg4 : memref<208xf32, #tpu.memory_space<hbm>>) target(%arg16 : memref<208xf32, #tpu.memory_space<vmem>>) target_semaphore(%run_scoped3A : memref<!tpu.dma_semaphore, #tpu.memory_space<semaphore_mem>>)
      tpu.wait_dma2 semaphore(%run_scoped3A : memref<!tpu.dma_semaphore, #tpu.memory_space<semaphore_mem>>) src(%arg4 : memref<208xf32, #tpu.memory_space<hbm>>) dst(%arg16 : memref<208xf32, #tpu.memory_space<vmem>>)
      tpu.yield
    }) : () -> ()
    "tpu.region"() ({
      %run_scoped3A = tpu.sem_alloc : memref<!tpu.dma_semaphore, #tpu.memory_space<semaphore_mem>>
      tpu.enqueue_dma source(%arg5 : memref<208xf32, #tpu.memory_space<hbm>>) target(%arg17 : memref<208xf32, #tpu.memory_space<vmem>>) target_semaphore(%run_scoped3A : memref<!tpu.dma_semaphore, #tpu.memory_space<semaphore_mem>>)
      tpu.wait_dma2 semaphore(%run_scoped3A : memref<!tpu.dma_semaphore, #tpu.memory_space<semaphore_mem>>) src(%arg5 : memref<208xf32, #tpu.memory_space<hbm>>) dst(%arg17 : memref<208xf32, #tpu.memory_space<vmem>>)
      tpu.yield
    }) : () -> ()
    "tpu.region"() ({
      %run_scoped3A = tpu.sem_alloc : memref<!tpu.dma_semaphore, #tpu.memory_space<semaphore_mem>>
      tpu.enqueue_dma source(%arg6 : memref<16xf32, #tpu.memory_space<hbm>>) target(%arg18 : memref<16xf32, #tpu.memory_space<vmem>>) target_semaphore(%run_scoped3A : memref<!tpu.dma_semaphore, #tpu.memory_space<semaphore_mem>>)
      tpu.wait_dma2 semaphore(%run_scoped3A : memref<!tpu.dma_semaphore, #tpu.memory_space<semaphore_mem>>) src(%arg6 : memref<16xf32, #tpu.memory_space<hbm>>) dst(%arg18 : memref<16xf32, #tpu.memory_space<vmem>>)
      tpu.yield
    }) : () -> ()
    "tpu.region"() ({
      %run_scoped3A = tpu.sem_alloc : memref<!tpu.dma_semaphore, #tpu.memory_space<semaphore_mem>>
      %dma_start3A = tpu.memref_slice %arg7[%mul3A_2] : memref<2560xf32, #tpu.memory_space<hbm>> -> memref<80xf32, #tpu.memory_space<hbm>>
      %dma_start3A_10 = tpu.memref_slice %arg7[%mul3A_2] : memref<2560xf32, #tpu.memory_space<hbm>> -> memref<80xf32, #tpu.memory_space<hbm>>
      tpu.enqueue_dma source(%dma_start3A_10 : memref<80xf32, #tpu.memory_space<hbm>>) target(%arg19 : memref<80xf32, #tpu.memory_space<vmem>>) target_semaphore(%run_scoped3A : memref<!tpu.dma_semaphore, #tpu.memory_space<semaphore_mem>>)
      %dma_wait3A = tpu.memref_slice %arg7[%mul3A_2] : memref<2560xf32, #tpu.memory_space<hbm>> -> memref<80xf32, #tpu.memory_space<hbm>>
      %dma_wait3A_11 = tpu.memref_slice %arg7[%mul3A_2] : memref<2560xf32, #tpu.memory_space<hbm>> -> memref<80xf32, #tpu.memory_space<hbm>>
      tpu.wait_dma2 semaphore(%run_scoped3A : memref<!tpu.dma_semaphore, #tpu.memory_space<semaphore_mem>>) src(%dma_wait3A_11 : memref<80xf32, #tpu.memory_space<hbm>>) dst(%arg19 : memref<80xf32, #tpu.memory_space<vmem>>)
      tpu.yield
    }) : () -> ()
    "tpu.region"() ({
      %run_scoped3A = tpu.sem_alloc : memref<!tpu.dma_semaphore, #tpu.memory_space<semaphore_mem>>
      %dma_start3A = tpu.memref_slice %arg8[%mul3A_2] : memref<2560xf32, #tpu.memory_space<hbm>> -> memref<80xf32, #tpu.memory_space<hbm>>
      %dma_start3A_10 = tpu.memref_slice %arg8[%mul3A_2] : memref<2560xf32, #tpu.memory_space<hbm>> -> memref<80xf32, #tpu.memory_space<hbm>>
      tpu.enqueue_dma source(%dma_start3A_10 : memref<80xf32, #tpu.memory_space<hbm>>) target(%arg20 : memref<80xf32, #tpu.memory_space<vmem>>) target_semaphore(%run_scoped3A : memref<!tpu.dma_semaphore, #tpu.memory_space<semaphore_mem>>)
      %dma_wait3A = tpu.memref_slice %arg8[%mul3A_2] : memref<2560xf32, #tpu.memory_space<hbm>> -> memref<80xf32, #tpu.memory_space<hbm>>
      %dma_wait3A_11 = tpu.memref_slice %arg8[%mul3A_2] : memref<2560xf32, #tpu.memory_space<hbm>> -> memref<80xf32, #tpu.memory_space<hbm>>
      tpu.wait_dma2 semaphore(%run_scoped3A : memref<!tpu.dma_semaphore, #tpu.memory_space<semaphore_mem>>) src(%dma_wait3A_11 : memref<80xf32, #tpu.memory_space<hbm>>) dst(%arg20 : memref<80xf32, #tpu.memory_space<vmem>>)
      tpu.yield
    }) : () -> ()
    "tpu.region"() ({
      %run_scoped3A = tpu.sem_alloc : memref<!tpu.dma_semaphore, #tpu.memory_space<semaphore_mem>>
      %dma_start3A = tpu.memref_slice %arg9[%mul3A_2] : memref<2560xf32, #tpu.memory_space<hbm>> -> memref<80xf32, #tpu.memory_space<hbm>>
      %dma_start3A_10 = tpu.memref_slice %arg9[%mul3A_2] : memref<2560xf32, #tpu.memory_space<hbm>> -> memref<80xf32, #tpu.memory_space<hbm>>
      tpu.enqueue_dma source(%dma_start3A_10 : memref<80xf32, #tpu.memory_space<hbm>>) target(%arg21 : memref<80xf32, #tpu.memory_space<vmem>>) target_semaphore(%run_scoped3A : memref<!tpu.dma_semaphore, #tpu.memory_space<semaphore_mem>>)
      %dma_wait3A = tpu.memref_slice %arg9[%mul3A_2] : memref<2560xf32, #tpu.memory_space<hbm>> -> memref<80xf32, #tpu.memory_space<hbm>>
      %dma_wait3A_11 = tpu.memref_slice %arg9[%mul3A_2] : memref<2560xf32, #tpu.memory_space<hbm>> -> memref<80xf32, #tpu.memory_space<hbm>>
      tpu.wait_dma2 semaphore(%run_scoped3A : memref<!tpu.dma_semaphore, #tpu.memory_space<semaphore_mem>>) src(%dma_wait3A_11 : memref<80xf32, #tpu.memory_space<hbm>>) dst(%arg21 : memref<80xf32, #tpu.memory_space<vmem>>)
      tpu.yield
    }) : () -> ()
    "tpu.region"() ({
      %run_scoped3A = tpu.sem_alloc : memref<!tpu.dma_semaphore, #tpu.memory_space<semaphore_mem>>
      %dma_start3A = tpu.memref_slice %arg10[%mul3A_2] : memref<2560xf32, #tpu.memory_space<hbm>> -> memref<80xf32, #tpu.memory_space<hbm>>
      %dma_start3A_10 = tpu.memref_slice %arg10[%mul3A_2] : memref<2560xf32, #tpu.memory_space<hbm>> -> memref<80xf32, #tpu.memory_space<hbm>>
      tpu.enqueue_dma source(%dma_start3A_10 : memref<80xf32, #tpu.memory_space<hbm>>) target(%arg22 : memref<80xf32, #tpu.memory_space<vmem>>) target_semaphore(%run_scoped3A : memref<!tpu.dma_semaphore, #tpu.memory_space<semaphore_mem>>)
      %dma_wait3A = tpu.memref_slice %arg10[%mul3A_2] : memref<2560xf32, #tpu.memory_space<hbm>> -> memref<80xf32, #tpu.memory_space<hbm>>
      %dma_wait3A_11 = tpu.memref_slice %arg10[%mul3A_2] : memref<2560xf32, #tpu.memory_space<hbm>> -> memref<80xf32, #tpu.memory_space<hbm>>
      tpu.wait_dma2 semaphore(%run_scoped3A : memref<!tpu.dma_semaphore, #tpu.memory_space<semaphore_mem>>) src(%dma_wait3A_11 : memref<80xf32, #tpu.memory_space<hbm>>) dst(%arg22 : memref<80xf32, #tpu.memory_space<vmem>>)
      tpu.yield
    }) : () -> ()
    "tpu.region"() ({
      %run_scoped3A = tpu.sem_alloc : memref<!tpu.dma_semaphore, #tpu.memory_space<semaphore_mem>>
      %dma_start3A = tpu.memref_slice %arg11[%mul3A_2] : memref<2560xf32, #tpu.memory_space<hbm>> -> memref<80xf32, #tpu.memory_space<hbm>>
      %dma_start3A_10 = tpu.memref_slice %arg11[%mul3A_2] : memref<2560xf32, #tpu.memory_space<hbm>> -> memref<80xf32, #tpu.memory_space<hbm>>
      tpu.enqueue_dma source(%dma_start3A_10 : memref<80xf32, #tpu.memory_space<hbm>>) target(%arg23 : memref<80xf32, #tpu.memory_space<vmem>>) target_semaphore(%run_scoped3A : memref<!tpu.dma_semaphore, #tpu.memory_space<semaphore_mem>>)
      %dma_wait3A = tpu.memref_slice %arg11[%mul3A_2] : memref<2560xf32, #tpu.memory_space<hbm>> -> memref<80xf32, #tpu.memory_space<hbm>>
      %dma_wait3A_11 = tpu.memref_slice %arg11[%mul3A_2] : memref<2560xf32, #tpu.memory_space<hbm>> -> memref<80xf32, #tpu.memory_space<hbm>>
      tpu.wait_dma2 semaphore(%run_scoped3A : memref<!tpu.dma_semaphore, #tpu.memory_space<semaphore_mem>>) src(%dma_wait3A_11 : memref<80xf32, #tpu.memory_space<hbm>>) dst(%arg23 : memref<80xf32, #tpu.memory_space<vmem>>)
      tpu.yield
    }) : () -> ()
    %get3A = arith.constant 0 : index
    %get3A_3 = tpu.vector_load %arg18[%get3A] {strides = array<i32>} : memref<16xf32, #tpu.memory_space<vmem>>, vector<16xf32>,
    %get3A_4 = vector.shape_cast %get3A_3 : vector<16xf32> to vector<16xf32>
    %slice3A = vector.extract_strided_slice %get3A_4 {offsets = [0], sizes = [1], strides = [1]} : vector<16xf32> to vector<1xf32>
    %squeeze3A = vector.extract %slice3A[0] : f32 from vector<1xf32>
    %scan3A = arith.constant 0 : i32
    %scan3A_5 = arith.constant 0 : i32
    %scan3A_6 = arith.constant 5 : i32
    %scan3A_7 = arith.addi %scan3A_5, %scan3A_6 : i32
    %scan3A_8 = arith.constant 1 : i32
    scf.for %scan3A_10 = %scan3A_5 to %scan3A_7 step %scan3A_8  : i32 {
      %mul3A_11 = arith.constant 16 : i32
      %mul3A_12 = arith.muli %scan3A_10, %mul3A_11 : i32
      %get3A_13 = arith.index_cast %mul3A_12 : i32 to index
      %get3A_14 = tpu.vector_load %arg19[%get3A_13] {strides = array<i32>} : memref<80xf32, #tpu.memory_space<vmem>>, vector<16xf32>,
      %get3A_15 = vector.shape_cast %get3A_14 : vector<16xf32> to vector<16xf32>
      %get3A_16 = arith.index_cast %mul3A_12 : i32 to index
      %get3A_17 = tpu.vector_load %arg20[%get3A_16] {strides = array<i32>} : memref<80xf32, #tpu.memory_space<vmem>>, vector<16xf32>,
      %get3A_18 = vector.shape_cast %get3A_17 : vector<16xf32> to vector<16xf32>
      %get3A_19 = arith.index_cast %mul3A_12 : i32 to index
      %get3A_20 = tpu.vector_load %arg21[%get3A_19] {strides = array<i32>} : memref<80xf32, #tpu.memory_space<vmem>>, vector<16xf32>,
      %get3A_21 = vector.shape_cast %get3A_20 : vector<16xf32> to vector<16xf32>
      %get3A_22 = arith.index_cast %mul3A_12 : i32 to index
      %get3A_23 = tpu.vector_load %arg22[%get3A_22] {strides = array<i32>} : memref<80xf32, #tpu.memory_space<vmem>>, vector<16xf32>,
      %get3A_24 = vector.shape_cast %get3A_23 : vector<16xf32> to vector<16xf32>
      %get3A_25 = arith.index_cast %mul3A_12 : i32 to index
      %get3A_26 = tpu.vector_load %arg23[%get3A_25] {strides = array<i32>} : memref<80xf32, #tpu.memory_space<vmem>>, vector<16xf32>,
      %get3A_27 = vector.shape_cast %get3A_26 : vector<16xf32> to vector<16xf32>
      %sub3A = arith.subf %get3A_21, %get3A_15 : vector<16xf32>
      %sub3A_28 = arith.subf %get3A_24, %get3A_18 : vector<16xf32>
      %max3A = arith.maximumf %sub3A, %sub3A_28 : vector<16xf32>
      %sub3A_29 = arith.subf %max3A, %get3A_27 : vector<16xf32>
      %add3A_30 = arith.addf %get3A_15, %get3A_21 : vector<16xf32>
      %mul3A_31 = arith.constant 5.000000e-01 : f32
      %mul3A_32 = vector.broadcast %mul3A_31 : f32 to vector<16xf32>
      %mul3A_33 = arith.mulf %add3A_30, %mul3A_32 : vector<16xf32>
      %add3A_34 = arith.addf %get3A_18, %get3A_24 : vector<16xf32>
      %mul3A_35 = arith.constant 5.000000e-01 : f32
      %mul3A_36 = vector.broadcast %mul3A_35 : f32 to vector<16xf32>
      %mul3A_37 = arith.mulf %add3A_34, %mul3A_36 : vector<16xf32>
      %mul3A_38 = arith.mulf %get3A_27, %get3A_27 : vector<16xf32>
      %broadcast_in_dim3A = arith.constant 208 : i32
      %broadcast_in_dim3A_39 = vector.broadcast %broadcast_in_dim3A : i32 to vector<16xi32>
      %broadcast_in_dim3A_40 = arith.constant 0 : i32
      %broadcast_in_dim3A_41 = vector.broadcast %broadcast_in_dim3A_40 : i32 to vector<16xi32>
      %scan3A_42 = arith.constant 0 : i32
      %scan3A_43 = arith.constant 13 : i32
      %scan3A_44 = arith.addi %scan3A_42, %scan3A_43 : i32
      %scan3A_45 = arith.constant 1 : i32
      %scan3A_46:2 = scf.for %scan3A_58 = %scan3A_42 to %scan3A_44 step %scan3A_45 iter_args(%scan3A_59 = %broadcast_in_dim3A_39, %scan3A_60 = %broadcast_in_dim3A_41) -> (vector<16xi32>, vector<16xi32>)  : i32 {
        %mul3A_61 = arith.constant 16 : i32
        %mul3A_62 = arith.muli %scan3A_58, %mul3A_61 : i32
        %get3A_63 = arith.index_cast %mul3A_62 : i32 to index
        %get3A_64 = tpu.vector_load %arg14[%get3A_63] {strides = array<i32>} : memref<208xf32, #tpu.memory_space<vmem>>, vector<16xf32>,
        %get3A_65 = vector.shape_cast %get3A_64 : vector<16xf32> to vector<16xf32>
        %get3A_66 = arith.index_cast %mul3A_62 : i32 to index
        %get3A_67 = tpu.vector_load %arg15[%get3A_66] {strides = array<i32>} : memref<208xf32, #tpu.memory_space<vmem>>, vector<16xf32>,
        %get3A_68 = vector.shape_cast %get3A_67 : vector<16xf32> to vector<16xf32>
        %get3A_69 = arith.index_cast %mul3A_62 : i32 to index
        %get3A_70 = tpu.vector_load %arg16[%get3A_69] {strides = array<i32>} : memref<208xf32, #tpu.memory_space<vmem>>, vector<16xf32>,
        %get3A_71 = vector.shape_cast %get3A_70 : vector<16xf32> to vector<16xf32>
        %get3A_72 = arith.index_cast %mul3A_62 : i32 to index
        %get3A_73 = tpu.vector_load %arg17[%get3A_72] {strides = array<i32>} : memref<208xf32, #tpu.memory_space<vmem>>, vector<16xf32>,
        %get3A_74 = vector.shape_cast %get3A_73 : vector<16xf32> to vector<16xf32>
        %slice3A_75 = vector.extract_strided_slice %get3A_65 {offsets = [0], sizes = [1], strides = [1]} : vector<16xf32> to vector<1xf32>
        %squeeze3A_76 = vector.extract %slice3A_75[0] : f32 from vector<1xf32>
        %slice3A_77 = vector.extract_strided_slice %get3A_68 {offsets = [0], sizes = [1], strides = [1]} : vector<16xf32> to vector<1xf32>
        %squeeze3A_78 = vector.extract %slice3A_77[0] : f32 from vector<1xf32>
        %slice3A_79 = vector.extract_strided_slice %get3A_71 {offsets = [0], sizes = [1], strides = [1]} : vector<16xf32> to vector<1xf32>
        %squeeze3A_80 = vector.extract %slice3A_79[0] : f32 from vector<1xf32>
        %slice3A_81 = vector.extract_strided_slice %get3A_74 {offsets = [0], sizes = [1], strides = [1]} : vector<16xf32> to vector<1xf32>
        %squeeze3A_82 = vector.extract %slice3A_81[0] : f32 from vector<1xf32>
        %sub3A_83 = arith.subf %squeeze3A_80, %squeeze3A_76 : f32
        %sub3A_84 = arith.subf %squeeze3A_82, %squeeze3A_78 : f32
        %max3A_85 = arith.maximumf %sub3A_83, %sub3A_84 : f32
        %mul3A_86 = arith.constant 2.000000e+00 : f32
        %mul3A_87 = arith.mulf %max3A_85, %mul3A_86 : f32
        %max3A_88 = arith.maximumf %mul3A_87, %squeeze3A : f32
        %add3A_89 = arith.addf %squeeze3A_76, %squeeze3A_80 : f32
        %mul3A_90 = arith.constant 5.000000e-01 : f32
        %mul3A_91 = arith.mulf %add3A_89, %mul3A_90 : f32
        %add3A_92 = arith.addf %squeeze3A_78, %squeeze3A_82 : f32
        %mul3A_93 = arith.constant 5.000000e-01 : f32
        %mul3A_94 = arith.mulf %add3A_92, %mul3A_93 : f32
        %broadcast_in_dim3A_95 = vector.broadcast %squeeze3A_76 : f32 to vector<16xf32>
        %sub3A_96 = arith.subf %broadcast_in_dim3A_95, %get3A_15 : vector<16xf32>
        %broadcast_in_dim3A_97 = vector.broadcast %squeeze3A_78 : f32 to vector<16xf32>
        %sub3A_98 = arith.subf %broadcast_in_dim3A_97, %get3A_18 : vector<16xf32>
        %min3A = arith.minimumf %sub3A_96, %sub3A_98 : vector<16xf32>
        %broadcast_in_dim3A_99 = vector.broadcast %squeeze3A_80 : f32 to vector<16xf32>
        %sub3A_100 = arith.subf %get3A_21, %broadcast_in_dim3A_99 : vector<16xf32>
        %min3A_101 = arith.minimumf %min3A, %sub3A_100 : vector<16xf32>
        %broadcast_in_dim3A_102 = vector.broadcast %squeeze3A_82 : f32 to vector<16xf32>
        %sub3A_103 = arith.subf %get3A_24, %broadcast_in_dim3A_102 : vector<16xf32>
        %min3A_104 = arith.minimumf %min3A_101, %sub3A_103 : vector<16xf32>
        %broadcast_in_dim3A_105 = vector.broadcast %max3A_88 : f32 to vector<16xf32>
        %sub3A_106 = arith.subf %broadcast_in_dim3A_105, %sub3A_29 : vector<16xf32>
        %min3A_107 = arith.minimumf %min3A_104, %sub3A_106 : vector<16xf32>
        %broadcast_in_dim3A_108 = vector.broadcast %mul3A_91 : f32 to vector<16xf32>
        %sub3A_109 = arith.subf %broadcast_in_dim3A_108, %mul3A_33 : vector<16xf32>
        %broadcast_in_dim3A_110 = vector.broadcast %mul3A_94 : f32 to vector<16xf32>
        %sub3A_111 = arith.subf %broadcast_in_dim3A_110, %mul3A_37 : vector<16xf32>
        %mul3A_112 = arith.mulf %sub3A_109, %sub3A_109 : vector<16xf32>
        %mul3A_113 = arith.mulf %sub3A_111, %sub3A_111 : vector<16xf32>
        %add3A_114 = arith.addf %mul3A_112, %mul3A_113 : vector<16xf32>
        %sub3A_115 = arith.subf %mul3A_38, %add3A_114 : vector<16xf32>
        %min3A_116 = arith.minimumf %min3A_107, %sub3A_115 : vector<16xf32>
        %ge3A = arith.constant 0.000000e+00 : f32
        %ge3A_117 = vector.broadcast %ge3A : f32 to vector<16xf32>
        %ge3A_118 = arith.cmpf oge, %min3A_116, %ge3A_117 : vector<16xf32>
        %add3A_119 = arith.constant 0 : i32
        %add3A_120 = arith.addi %mul3A_62, %add3A_119 : i32
        %broadcast_in_dim3A_121 = vector.broadcast %add3A_120 : i32 to vector<16xi32>
        %jit3A_122 = arith.constant 208 : i32
        %broadcast_in_dim3A_123 = vector.broadcast %jit3A_122 : i32 to vector<16xi32>
        %select_n3A_124 = arith.select %ge3A_118, %broadcast_in_dim3A_121, %broadcast_in_dim3A_123 : vector<16xi1>, vector<16xi32>
        %min3A_125 = arith.minsi %scan3A_59, %select_n3A_124 : vector<16xi32>
        %jit3A_126 = arith.constant 1 : i32
        %jit3A_127 = arith.constant 0 : i32
        %broadcast_in_dim3A_128 = vector.broadcast %jit3A_126 : i32 to vector<16xi32>
        %broadcast_in_dim3A_129 = vector.broadcast %jit3A_127 : i32 to vector<16xi32>
        %select_n3A_130 = arith.select %ge3A_118, %broadcast_in_dim3A_128, %broadcast_in_dim3A_129 : vector<16xi1>, vector<16xi32>
        %add3A_131 = arith.addi %scan3A_60, %select_n3A_130 : vector<16xi32>
        %slice3A_132 = vector.extract_strided_slice %get3A_65 {offsets = [1], sizes = [1], strides = [1]} : vector<16xf32> to vector<1xf32>
        %squeeze3A_133 = vector.extract %slice3A_132[0] : f32 from vector<1xf32>
        %slice3A_134 = vector.extract_strided_slice %get3A_68 {offsets = [1], sizes = [1], strides = [1]} : vector<16xf32> to vector<1xf32>
        %squeeze3A_135 = vector.extract %slice3A_134[0] : f32 from vector<1xf32>
        %slice3A_136 = vector.extract_strided_slice %get3A_71 {offsets = [1], sizes = [1], strides = [1]} : vector<16xf32> to vector<1xf32>
        %squeeze3A_137 = vector.extract %slice3A_136[0] : f32 from vector<1xf32>
        %slice3A_138 = vector.extract_strided_slice %get3A_74 {offsets = [1], sizes = [1], strides = [1]} : vector<16xf32> to vector<1xf32>
        %squeeze3A_139 = vector.extract %slice3A_138[0] : f32 from vector<1xf32>
        %sub3A_140 = arith.subf %squeeze3A_137, %squeeze3A_133 : f32
        %sub3A_141 = arith.subf %squeeze3A_139, %squeeze3A_135 : f32
        %max3A_142 = arith.maximumf %sub3A_140, %sub3A_141 : f32
        %mul3A_143 = arith.constant 2.000000e+00 : f32
        %mul3A_144 = arith.mulf %max3A_142, %mul3A_143 : f32
        %max3A_145 = arith.maximumf %mul3A_144, %squeeze3A : f32
        %add3A_146 = arith.addf %squeeze3A_133, %squeeze3A_137 : f32
        %mul3A_147 = arith.constant 5.000000e-01 : f32
        %mul3A_148 = arith.mulf %add3A_146, %mul3A_147 : f32
        %add3A_149 = arith.addf %squeeze3A_135, %squeeze3A_139 : f32
        %mul3A_150 = arith.constant 5.000000e-01 : f32
        %mul3A_151 = arith.mulf %add3A_149, %mul3A_150 : f32
        %broadcast_in_dim3A_152 = vector.broadcast %squeeze3A_133 : f32 to vector<16xf32>
        %sub3A_153 = arith.subf %broadcast_in_dim3A_152, %get3A_15 : vector<16xf32>
        %broadcast_in_dim3A_154 = vector.broadcast %squeeze3A_135 : f32 to vector<16xf32>
        %sub3A_155 = arith.subf %broadcast_in_dim3A_154, %get3A_18 : vector<16xf32>
        %min3A_156 = arith.minimumf %sub3A_153, %sub3A_155 : vector<16xf32>
        %broadcast_in_dim3A_157 = vector.broadcast %squeeze3A_137 : f32 to vector<16xf32>
        %sub3A_158 = arith.subf %get3A_21, %broadcast_in_dim3A_157 : vector<16xf32>
        %min3A_159 = arith.minimumf %min3A_156, %sub3A_158 : vector<16xf32>
        %broadcast_in_dim3A_160 = vector.broadcast %squeeze3A_139 : f32 to vector<16xf32>
        %sub3A_161 = arith.subf %get3A_24, %broadcast_in_dim3A_160 : vector<16xf32>
        %min3A_162 = arith.minimumf %min3A_159, %sub3A_161 : vector<16xf32>
        %broadcast_in_dim3A_163 = vector.broadcast %max3A_145 : f32 to vector<16xf32>
        %sub3A_164 = arith.subf %broadcast_in_dim3A_163, %sub3A_29 : vector<16xf32>
        %min3A_165 = arith.minimumf %min3A_162, %sub3A_164 : vector<16xf32>
        %broadcast_in_dim3A_166 = vector.broadcast %mul3A_148 : f32 to vector<16xf32>
        %sub3A_167 = arith.subf %broadcast_in_dim3A_166, %mul3A_33 : vector<16xf32>
        %broadcast_in_dim3A_168 = vector.broadcast %mul3A_151 : f32 to vector<16xf32>
        %sub3A_169 = arith.subf %broadcast_in_dim3A_168, %mul3A_37 : vector<16xf32>
        %mul3A_170 = arith.mulf %sub3A_167, %sub3A_167 : vector<16xf32>
        %mul3A_171 = arith.mulf %sub3A_169, %sub3A_169 : vector<16xf32>
        %add3A_172 = arith.addf %mul3A_170, %mul3A_171 : vector<16xf32>
        %sub3A_173 = arith.subf %mul3A_38, %add3A_172 : vector<16xf32>
        %min3A_174 = arith.minimumf %min3A_165, %sub3A_173 : vector<16xf32>
        %ge3A_175 = arith.constant 0.000000e+00 : f32
        %ge3A_176 = vector.broadcast %ge3A_175 : f32 to vector<16xf32>
        %ge3A_177 = arith.cmpf oge, %min3A_174, %ge3A_176 : vector<16xf32>
        %add3A_178 = arith.constant 1 : i32
        %add3A_179 = arith.addi %mul3A_62, %add3A_178 : i32
        %broadcast_in_dim3A_180 = vector.broadcast %add3A_179 : i32 to vector<16xi32>
        %jit3A_181 = arith.constant 208 : i32
        %broadcast_in_dim3A_182 = vector.broadcast %jit3A_181 : i32 to vector<16xi32>
        %select_n3A_183 = arith.select %ge3A_177, %broadcast_in_dim3A_180, %broadcast_in_dim3A_182 : vector<16xi1>, vector<16xi32>
        %min3A_184 = arith.minsi %min3A_125, %select_n3A_183 : vector<16xi32>
        %jit3A_185 = arith.constant 1 : i32
        %jit3A_186 = arith.constant 0 : i32
        %broadcast_in_dim3A_187 = vector.broadcast %jit3A_185 : i32 to vector<16xi32>
        %broadcast_in_dim3A_188 = vector.broadcast %jit3A_186 : i32 to vector<16xi32>
        %select_n3A_189 = arith.select %ge3A_177, %broadcast_in_dim3A_187, %broadcast_in_dim3A_188 : vector<16xi1>, vector<16xi32>
        %add3A_190 = arith.addi %add3A_131, %select_n3A_189 : vector<16xi32>
        %slice3A_191 = vector.extract_strided_slice %get3A_65 {offsets = [2], sizes = [1], strides = [1]} : vector<16xf32> to vector<1xf32>
        %squeeze3A_192 = vector.extract %slice3A_191[0] : f32 from vector<1xf32>
        %slice3A_193 = vector.extract_strided_slice %get3A_68 {offsets = [2], sizes = [1], strides = [1]} : vector<16xf32> to vector<1xf32>
        %squeeze3A_194 = vector.extract %slice3A_193[0] : f32 from vector<1xf32>
        %slice3A_195 = vector.extract_strided_slice %get3A_71 {offsets = [2], sizes = [1], strides = [1]} : vector<16xf32> to vector<1xf32>
        %squeeze3A_196 = vector.extract %slice3A_195[0] : f32 from vector<1xf32>
        %slice3A_197 = vector.extract_strided_slice %get3A_74 {offsets = [2], sizes = [1], strides = [1]} : vector<16xf32> to vector<1xf32>
        %squeeze3A_198 = vector.extract %slice3A_197[0] : f32 from vector<1xf32>
        %sub3A_199 = arith.subf %squeeze3A_196, %squeeze3A_192 : f32
        %sub3A_200 = arith.subf %squeeze3A_198, %squeeze3A_194 : f32
        %max3A_201 = arith.maximumf %sub3A_199, %sub3A_200 : f32
        %mul3A_202 = arith.constant 2.000000e+00 : f32
        %mul3A_203 = arith.mulf %max3A_201, %mul3A_202 : f32
        %max3A_204 = arith.maximumf %mul3A_203, %squeeze3A : f32
        %add3A_205 = arith.addf %squeeze3A_192, %squeeze3A_196 : f32
        %mul3A_206 = arith.constant 5.000000e-01 : f32
        %mul3A_207 = arith.mulf %add3A_205, %mul3A_206 : f32
        %add3A_208 = arith.addf %squeeze3A_194, %squeeze3A_198 : f32
        %mul3A_209 = arith.constant 5.000000e-01 : f32
        %mul3A_210 = arith.mulf %add3A_208, %mul3A_209 : f32
        %broadcast_in_dim3A_211 = vector.broadcast %squeeze3A_192 : f32 to vector<16xf32>
        %sub3A_212 = arith.subf %broadcast_in_dim3A_211, %get3A_15 : vector<16xf32>
        %broadcast_in_dim3A_213 = vector.broadcast %squeeze3A_194 : f32 to vector<16xf32>
        %sub3A_214 = arith.subf %broadcast_in_dim3A_213, %get3A_18 : vector<16xf32>
        %min3A_215 = arith.minimumf %sub3A_212, %sub3A_214 : vector<16xf32>
        %broadcast_in_dim3A_216 = vector.broadcast %squeeze3A_196 : f32 to vector<16xf32>
        %sub3A_217 = arith.subf %get3A_21, %broadcast_in_dim3A_216 : vector<16xf32>
        %min3A_218 = arith.minimumf %min3A_215, %sub3A_217 : vector<16xf32>
        %broadcast_in_dim3A_219 = vector.broadcast %squeeze3A_198 : f32 to vector<16xf32>
        %sub3A_220 = arith.subf %get3A_24, %broadcast_in_dim3A_219 : vector<16xf32>
        %min3A_221 = arith.minimumf %min3A_218, %sub3A_220 : vector<16xf32>
        %broadcast_in_dim3A_222 = vector.broadcast %max3A_204 : f32 to vector<16xf32>
        %sub3A_223 = arith.subf %broadcast_in_dim3A_222, %sub3A_29 : vector<16xf32>
        %min3A_224 = arith.minimumf %min3A_221, %sub3A_223 : vector<16xf32>
        %broadcast_in_dim3A_225 = vector.broadcast %mul3A_207 : f32 to vector<16xf32>
        %sub3A_226 = arith.subf %broadcast_in_dim3A_225, %mul3A_33 : vector<16xf32>
        %broadcast_in_dim3A_227 = vector.broadcast %mul3A_210 : f32 to vector<16xf32>
        %sub3A_228 = arith.subf %broadcast_in_dim3A_227, %mul3A_37 : vector<16xf32>
        %mul3A_229 = arith.mulf %sub3A_226, %sub3A_226 : vector<16xf32>
        %mul3A_230 = arith.mulf %sub3A_228, %sub3A_228 : vector<16xf32>
        %add3A_231 = arith.addf %mul3A_229, %mul3A_230 : vector<16xf32>
        %sub3A_232 = arith.subf %mul3A_38, %add3A_231 : vector<16xf32>
        %min3A_233 = arith.minimumf %min3A_224, %sub3A_232 : vector<16xf32>
        %ge3A_234 = arith.constant 0.000000e+00 : f32
        %ge3A_235 = vector.broadcast %ge3A_234 : f32 to vector<16xf32>
        %ge3A_236 = arith.cmpf oge, %min3A_233, %ge3A_235 : vector<16xf32>
        %add3A_237 = arith.constant 2 : i32
        %add3A_238 = arith.addi %mul3A_62, %add3A_237 : i32
        %broadcast_in_dim3A_239 = vector.broadcast %add3A_238 : i32 to vector<16xi32>
        %jit3A_240 = arith.constant 208 : i32
        %broadcast_in_dim3A_241 = vector.broadcast %jit3A_240 : i32 to vector<16xi32>
        %select_n3A_242 = arith.select %ge3A_236, %broadcast_in_dim3A_239, %broadcast_in_dim3A_241 : vector<16xi1>, vector<16xi32>
        %min3A_243 = arith.minsi %min3A_184, %select_n3A_242 : vector<16xi32>
        %jit3A_244 = arith.constant 1 : i32
        %jit3A_245 = arith.constant 0 : i32
        %broadcast_in_dim3A_246 = vector.broadcast %jit3A_244 : i32 to vector<16xi32>
        %broadcast_in_dim3A_247 = vector.broadcast %jit3A_245 : i32 to vector<16xi32>
        %select_n3A_248 = arith.select %ge3A_236, %broadcast_in_dim3A_246, %broadcast_in_dim3A_247 : vector<16xi1>, vector<16xi32>
        %add3A_249 = arith.addi %add3A_190, %select_n3A_248 : vector<16xi32>
        %slice3A_250 = vector.extract_strided_slice %get3A_65 {offsets = [3], sizes = [1], strides = [1]} : vector<16xf32> to vector<1xf32>
        %squeeze3A_251 = vector.extract %slice3A_250[0] : f32 from vector<1xf32>
        %slice3A_252 = vector.extract_strided_slice %get3A_68 {offsets = [3], sizes = [1], strides = [1]} : vector<16xf32> to vector<1xf32>
        %squeeze3A_253 = vector.extract %slice3A_252[0] : f32 from vector<1xf32>
        %slice3A_254 = vector.extract_strided_slice %get3A_71 {offsets = [3], sizes = [1], strides = [1]} : vector<16xf32> to vector<1xf32>
        %squeeze3A_255 = vector.extract %slice3A_254[0] : f32 from vector<1xf32>
        %slice3A_256 = vector.extract_strided_slice %get3A_74 {offsets = [3], sizes = [1], strides = [1]} : vector<16xf32> to vector<1xf32>
        %squeeze3A_257 = vector.extract %slice3A_256[0] : f32 from vector<1xf32>
        %sub3A_258 = arith.subf %squeeze3A_255, %squeeze3A_251 : f32
        %sub3A_259 = arith.subf %squeeze3A_257, %squeeze3A_253 : f32
        %max3A_260 = arith.maximumf %sub3A_258, %sub3A_259 : f32
        %mul3A_261 = arith.constant 2.000000e+00 : f32
        %mul3A_262 = arith.mulf %max3A_260, %mul3A_261 : f32
        %max3A_263 = arith.maximumf %mul3A_262, %squeeze3A : f32
        %add3A_264 = arith.addf %squeeze3A_251, %squeeze3A_255 : f32
        %mul3A_265 = arith.constant 5.000000e-01 : f32
        %mul3A_266 = arith.mulf %add3A_264, %mul3A_265 : f32
        %add3A_267 = arith.addf %squeeze3A_253, %squeeze3A_257 : f32
        %mul3A_268 = arith.constant 5.000000e-01 : f32
        %mul3A_269 = arith.mulf %add3A_267, %mul3A_268 : f32
        %broadcast_in_dim3A_270 = vector.broadcast %squeeze3A_251 : f32 to vector<16xf32>
        %sub3A_271 = arith.subf %broadcast_in_dim3A_270, %get3A_15 : vector<16xf32>
        %broadcast_in_dim3A_272 = vector.broadcast %squeeze3A_253 : f32 to vector<16xf32>
        %sub3A_273 = arith.subf %broadcast_in_dim3A_272, %get3A_18 : vector<16xf32>
        %min3A_274 = arith.minimumf %sub3A_271, %sub3A_273 : vector<16xf32>
        %broadcast_in_dim3A_275 = vector.broadcast %squeeze3A_255 : f32 to vector<16xf32>
        %sub3A_276 = arith.subf %get3A_21, %broadcast_in_dim3A_275 : vector<16xf32>
        %min3A_277 = arith.minimumf %min3A_274, %sub3A_276 : vector<16xf32>
        %broadcast_in_dim3A_278 = vector.broadcast %squeeze3A_257 : f32 to vector<16xf32>
        %sub3A_279 = arith.subf %get3A_24, %broadcast_in_dim3A_278 : vector<16xf32>
        %min3A_280 = arith.minimumf %min3A_277, %sub3A_279 : vector<16xf32>
        %broadcast_in_dim3A_281 = vector.broadcast %max3A_263 : f32 to vector<16xf32>
        %sub3A_282 = arith.subf %broadcast_in_dim3A_281, %sub3A_29 : vector<16xf32>
        %min3A_283 = arith.minimumf %min3A_280, %sub3A_282 : vector<16xf32>
        %broadcast_in_dim3A_284 = vector.broadcast %mul3A_266 : f32 to vector<16xf32>
        %sub3A_285 = arith.subf %broadcast_in_dim3A_284, %mul3A_33 : vector<16xf32>
        %broadcast_in_dim3A_286 = vector.broadcast %mul3A_269 : f32 to vector<16xf32>
        %sub3A_287 = arith.subf %broadcast_in_dim3A_286, %mul3A_37 : vector<16xf32>
        %mul3A_288 = arith.mulf %sub3A_285, %sub3A_285 : vector<16xf32>
        %mul3A_289 = arith.mulf %sub3A_287, %sub3A_287 : vector<16xf32>
        %add3A_290 = arith.addf %mul3A_288, %mul3A_289 : vector<16xf32>
        %sub3A_291 = arith.subf %mul3A_38, %add3A_290 : vector<16xf32>
        %min3A_292 = arith.minimumf %min3A_283, %sub3A_291 : vector<16xf32>
        %ge3A_293 = arith.constant 0.000000e+00 : f32
        %ge3A_294 = vector.broadcast %ge3A_293 : f32 to vector<16xf32>
        %ge3A_295 = arith.cmpf oge, %min3A_292, %ge3A_294 : vector<16xf32>
        %add3A_296 = arith.constant 3 : i32
        %add3A_297 = arith.addi %mul3A_62, %add3A_296 : i32
        %broadcast_in_dim3A_298 = vector.broadcast %add3A_297 : i32 to vector<16xi32>
        %jit3A_299 = arith.constant 208 : i32
        %broadcast_in_dim3A_300 = vector.broadcast %jit3A_299 : i32 to vector<16xi32>
        %select_n3A_301 = arith.select %ge3A_295, %broadcast_in_dim3A_298, %broadcast_in_dim3A_300 : vector<16xi1>, vector<16xi32>
        %min3A_302 = arith.minsi %min3A_243, %select_n3A_301 : vector<16xi32>
        %jit3A_303 = arith.constant 1 : i32
        %jit3A_304 = arith.constant 0 : i32
        %broadcast_in_dim3A_305 = vector.broadcast %jit3A_303 : i32 to vector<16xi32>
        %broadcast_in_dim3A_306 = vector.broadcast %jit3A_304 : i32 to vector<16xi32>
        %select_n3A_307 = arith.select %ge3A_295, %broadcast_in_dim3A_305, %broadcast_in_dim3A_306 : vector<16xi1>, vector<16xi32>
        %add3A_308 = arith.addi %add3A_249, %select_n3A_307 : vector<16xi32>
        %slice3A_309 = vector.extract_strided_slice %get3A_65 {offsets = [4], sizes = [1], strides = [1]} : vector<16xf32> to vector<1xf32>
        %squeeze3A_310 = vector.extract %slice3A_309[0] : f32 from vector<1xf32>
        %slice3A_311 = vector.extract_strided_slice %get3A_68 {offsets = [4], sizes = [1], strides = [1]} : vector<16xf32> to vector<1xf32>
        %squeeze3A_312 = vector.extract %slice3A_311[0] : f32 from vector<1xf32>
        %slice3A_313 = vector.extract_strided_slice %get3A_71 {offsets = [4], sizes = [1], strides = [1]} : vector<16xf32> to vector<1xf32>
        %squeeze3A_314 = vector.extract %slice3A_313[0] : f32 from vector<1xf32>
        %slice3A_315 = vector.extract_strided_slice %get3A_74 {offsets = [4], sizes = [1], strides = [1]} : vector<16xf32> to vector<1xf32>
        %squeeze3A_316 = vector.extract %slice3A_315[0] : f32 from vector<1xf32>
        %sub3A_317 = arith.subf %squeeze3A_314, %squeeze3A_310 : f32
        %sub3A_318 = arith.subf %squeeze3A_316, %squeeze3A_312 : f32
        %max3A_319 = arith.maximumf %sub3A_317, %sub3A_318 : f32
        %mul3A_320 = arith.constant 2.000000e+00 : f32
        %mul3A_321 = arith.mulf %max3A_319, %mul3A_320 : f32
        %max3A_322 = arith.maximumf %mul3A_321, %squeeze3A : f32
        %add3A_323 = arith.addf %squeeze3A_310, %squeeze3A_314 : f32
        %mul3A_324 = arith.constant 5.000000e-01 : f32
        %mul3A_325 = arith.mulf %add3A_323, %mul3A_324 : f32
        %add3A_326 = arith.addf %squeeze3A_312, %squeeze3A_316 : f32
        %mul3A_327 = arith.constant 5.000000e-01 : f32
        %mul3A_328 = arith.mulf %add3A_326, %mul3A_327 : f32
        %broadcast_in_dim3A_329 = vector.broadcast %squeeze3A_310 : f32 to vector<16xf32>
        %sub3A_330 = arith.subf %broadcast_in_dim3A_329, %get3A_15 : vector<16xf32>
        %broadcast_in_dim3A_331 = vector.broadcast %squeeze3A_312 : f32 to vector<16xf32>
        %sub3A_332 = arith.subf %broadcast_in_dim3A_331, %get3A_18 : vector<16xf32>
        %min3A_333 = arith.minimumf %sub3A_330, %sub3A_332 : vector<16xf32>
        %broadcast_in_dim3A_334 = vector.broadcast %squeeze3A_314 : f32 to vector<16xf32>
        %sub3A_335 = arith.subf %get3A_21, %broadcast_in_dim3A_334 : vector<16xf32>
        %min3A_336 = arith.minimumf %min3A_333, %sub3A_335 : vector<16xf32>
        %broadcast_in_dim3A_337 = vector.broadcast %squeeze3A_316 : f32 to vector<16xf32>
        %sub3A_338 = arith.subf %get3A_24, %broadcast_in_dim3A_337 : vector<16xf32>
        %min3A_339 = arith.minimumf %min3A_336, %sub3A_338 : vector<16xf32>
        %broadcast_in_dim3A_340 = vector.broadcast %max3A_322 : f32 to vector<16xf32>
        %sub3A_341 = arith.subf %broadcast_in_dim3A_340, %sub3A_29 : vector<16xf32>
        %min3A_342 = arith.minimumf %min3A_339, %sub3A_341 : vector<16xf32>
        %broadcast_in_dim3A_343 = vector.broadcast %mul3A_325 : f32 to vector<16xf32>
        %sub3A_344 = arith.subf %broadcast_in_dim3A_343, %mul3A_33 : vector<16xf32>
        %broadcast_in_dim3A_345 = vector.broadcast %mul3A_328 : f32 to vector<16xf32>
        %sub3A_346 = arith.subf %broadcast_in_dim3A_345, %mul3A_37 : vector<16xf32>
        %mul3A_347 = arith.mulf %sub3A_344, %sub3A_344 : vector<16xf32>
        %mul3A_348 = arith.mulf %sub3A_346, %sub3A_346 : vector<16xf32>
        %add3A_349 = arith.addf %mul3A_347, %mul3A_348 : vector<16xf32>
        %sub3A_350 = arith.subf %mul3A_38, %add3A_349 : vector<16xf32>
        %min3A_351 = arith.minimumf %min3A_342, %sub3A_350 : vector<16xf32>
        %ge3A_352 = arith.constant 0.000000e+00 : f32
        %ge3A_353 = vector.broadcast %ge3A_352 : f32 to vector<16xf32>
        %ge3A_354 = arith.cmpf oge, %min3A_351, %ge3A_353 : vector<16xf32>
        %add3A_355 = arith.constant 4 : i32
        %add3A_356 = arith.addi %mul3A_62, %add3A_355 : i32
        %broadcast_in_dim3A_357 = vector.broadcast %add3A_356 : i32 to vector<16xi32>
        %jit3A_358 = arith.constant 208 : i32
        %broadcast_in_dim3A_359 = vector.broadcast %jit3A_358 : i32 to vector<16xi32>
        %select_n3A_360 = arith.select %ge3A_354, %broadcast_in_dim3A_357, %broadcast_in_dim3A_359 : vector<16xi1>, vector<16xi32>
        %min3A_361 = arith.minsi %min3A_302, %select_n3A_360 : vector<16xi32>
        %jit3A_362 = arith.constant 1 : i32
        %jit3A_363 = arith.constant 0 : i32
        %broadcast_in_dim3A_364 = vector.broadcast %jit3A_362 : i32 to vector<16xi32>
        %broadcast_in_dim3A_365 = vector.broadcast %jit3A_363 : i32 to vector<16xi32>
        %select_n3A_366 = arith.select %ge3A_354, %broadcast_in_dim3A_364, %broadcast_in_dim3A_365 : vector<16xi1>, vector<16xi32>
        %add3A_367 = arith.addi %add3A_308, %select_n3A_366 : vector<16xi32>
        %slice3A_368 = vector.extract_strided_slice %get3A_65 {offsets = [5], sizes = [1], strides = [1]} : vector<16xf32> to vector<1xf32>
        %squeeze3A_369 = vector.extract %slice3A_368[0] : f32 from vector<1xf32>
        %slice3A_370 = vector.extract_strided_slice %get3A_68 {offsets = [5], sizes = [1], strides = [1]} : vector<16xf32> to vector<1xf32>
        %squeeze3A_371 = vector.extract %slice3A_370[0] : f32 from vector<1xf32>
        %slice3A_372 = vector.extract_strided_slice %get3A_71 {offsets = [5], sizes = [1], strides = [1]} : vector<16xf32> to vector<1xf32>
        %squeeze3A_373 = vector.extract %slice3A_372[0] : f32 from vector<1xf32>
        %slice3A_374 = vector.extract_strided_slice %get3A_74 {offsets = [5], sizes = [1], strides = [1]} : vector<16xf32> to vector<1xf32>
        %squeeze3A_375 = vector.extract %slice3A_374[0] : f32 from vector<1xf32>
        %sub3A_376 = arith.subf %squeeze3A_373, %squeeze3A_369 : f32
        %sub3A_377 = arith.subf %squeeze3A_375, %squeeze3A_371 : f32
        %max3A_378 = arith.maximumf %sub3A_376, %sub3A_377 : f32
        %mul3A_379 = arith.constant 2.000000e+00 : f32
        %mul3A_380 = arith.mulf %max3A_378, %mul3A_379 : f32
        %max3A_381 = arith.maximumf %mul3A_380, %squeeze3A : f32
        %add3A_382 = arith.addf %squeeze3A_369, %squeeze3A_373 : f32
        %mul3A_383 = arith.constant 5.000000e-01 : f32
        %mul3A_384 = arith.mulf %add3A_382, %mul3A_383 : f32
        %add3A_385 = arith.addf %squeeze3A_371, %squeeze3A_375 : f32
        %mul3A_386 = arith.constant 5.000000e-01 : f32
        %mul3A_387 = arith.mulf %add3A_385, %mul3A_386 : f32
        %broadcast_in_dim3A_388 = vector.broadcast %squeeze3A_369 : f32 to vector<16xf32>
        %sub3A_389 = arith.subf %broadcast_in_dim3A_388, %get3A_15 : vector<16xf32>
        %broadcast_in_dim3A_390 = vector.broadcast %squeeze3A_371 : f32 to vector<16xf32>
        %sub3A_391 = arith.subf %broadcast_in_dim3A_390, %get3A_18 : vector<16xf32>
        %min3A_392 = arith.minimumf %sub3A_389, %sub3A_391 : vector<16xf32>
        %broadcast_in_dim3A_393 = vector.broadcast %squeeze3A_373 : f32 to vector<16xf32>
        %sub3A_394 = arith.subf %get3A_21, %broadcast_in_dim3A_393 : vector<16xf32>
        %min3A_395 = arith.minimumf %min3A_392, %sub3A_394 : vector<16xf32>
        %broadcast_in_dim3A_396 = vector.broadcast %squeeze3A_375 : f32 to vector<16xf32>
        %sub3A_397 = arith.subf %get3A_24, %broadcast_in_dim3A_396 : vector<16xf32>
        %min3A_398 = arith.minimumf %min3A_395, %sub3A_397 : vector<16xf32>
        %broadcast_in_dim3A_399 = vector.broadcast %max3A_381 : f32 to vector<16xf32>
        %sub3A_400 = arith.subf %broadcast_in_dim3A_399, %sub3A_29 : vector<16xf32>
        %min3A_401 = arith.minimumf %min3A_398, %sub3A_400 : vector<16xf32>
        %broadcast_in_dim3A_402 = vector.broadcast %mul3A_384 : f32 to vector<16xf32>
        %sub3A_403 = arith.subf %broadcast_in_dim3A_402, %mul3A_33 : vector<16xf32>
        %broadcast_in_dim3A_404 = vector.broadcast %mul3A_387 : f32 to vector<16xf32>
        %sub3A_405 = arith.subf %broadcast_in_dim3A_404, %mul3A_37 : vector<16xf32>
        %mul3A_406 = arith.mulf %sub3A_403, %sub3A_403 : vector<16xf32>
        %mul3A_407 = arith.mulf %sub3A_405, %sub3A_405 : vector<16xf32>
        %add3A_408 = arith.addf %mul3A_406, %mul3A_407 : vector<16xf32>
        %sub3A_409 = arith.subf %mul3A_38, %add3A_408 : vector<16xf32>
        %min3A_410 = arith.minimumf %min3A_401, %sub3A_409 : vector<16xf32>
        %ge3A_411 = arith.constant 0.000000e+00 : f32
        %ge3A_412 = vector.broadcast %ge3A_411 : f32 to vector<16xf32>
        %ge3A_413 = arith.cmpf oge, %min3A_410, %ge3A_412 : vector<16xf32>
        %add3A_414 = arith.constant 5 : i32
        %add3A_415 = arith.addi %mul3A_62, %add3A_414 : i32
        %broadcast_in_dim3A_416 = vector.broadcast %add3A_415 : i32 to vector<16xi32>
        %jit3A_417 = arith.constant 208 : i32
        %broadcast_in_dim3A_418 = vector.broadcast %jit3A_417 : i32 to vector<16xi32>
        %select_n3A_419 = arith.select %ge3A_413, %broadcast_in_dim3A_416, %broadcast_in_dim3A_418 : vector<16xi1>, vector<16xi32>
        %min3A_420 = arith.minsi %min3A_361, %select_n3A_419 : vector<16xi32>
        %jit3A_421 = arith.constant 1 : i32
        %jit3A_422 = arith.constant 0 : i32
        %broadcast_in_dim3A_423 = vector.broadcast %jit3A_421 : i32 to vector<16xi32>
        %broadcast_in_dim3A_424 = vector.broadcast %jit3A_422 : i32 to vector<16xi32>
        %select_n3A_425 = arith.select %ge3A_413, %broadcast_in_dim3A_423, %broadcast_in_dim3A_424 : vector<16xi1>, vector<16xi32>
        %add3A_426 = arith.addi %add3A_367, %select_n3A_425 : vector<16xi32>
        %slice3A_427 = vector.extract_strided_slice %get3A_65 {offsets = [6], sizes = [1], strides = [1]} : vector<16xf32> to vector<1xf32>
        %squeeze3A_428 = vector.extract %slice3A_427[0] : f32 from vector<1xf32>
        %slice3A_429 = vector.extract_strided_slice %get3A_68 {offsets = [6], sizes = [1], strides = [1]} : vector<16xf32> to vector<1xf32>
        %squeeze3A_430 = vector.extract %slice3A_429[0] : f32 from vector<1xf32>
        %slice3A_431 = vector.extract_strided_slice %get3A_71 {offsets = [6], sizes = [1], strides = [1]} : vector<16xf32> to vector<1xf32>
        %squeeze3A_432 = vector.extract %slice3A_431[0] : f32 from vector<1xf32>
        %slice3A_433 = vector.extract_strided_slice %get3A_74 {offsets = [6], sizes = [1], strides = [1]} : vector<16xf32> to vector<1xf32>
        %squeeze3A_434 = vector.extract %slice3A_433[0] : f32 from vector<1xf32>
        %sub3A_435 = arith.subf %squeeze3A_432, %squeeze3A_428 : f32
        %sub3A_436 = arith.subf %squeeze3A_434, %squeeze3A_430 : f32
        %max3A_437 = arith.maximumf %sub3A_435, %sub3A_436 : f32
        %mul3A_438 = arith.constant 2.000000e+00 : f32
        %mul3A_439 = arith.mulf %max3A_437, %mul3A_438 : f32
        %max3A_440 = arith.maximumf %mul3A_439, %squeeze3A : f32
        %add3A_441 = arith.addf %squeeze3A_428, %squeeze3A_432 : f32
        %mul3A_442 = arith.constant 5.000000e-01 : f32
        %mul3A_443 = arith.mulf %add3A_441, %mul3A_442 : f32
        %add3A_444 = arith.addf %squeeze3A_430, %squeeze3A_434 : f32
        %mul3A_445 = arith.constant 5.000000e-01 : f32
        %mul3A_446 = arith.mulf %add3A_444, %mul3A_445 : f32
        %broadcast_in_dim3A_447 = vector.broadcast %squeeze3A_428 : f32 to vector<16xf32>
        %sub3A_448 = arith.subf %broadcast_in_dim3A_447, %get3A_15 : vector<16xf32>
        %broadcast_in_dim3A_449 = vector.broadcast %squeeze3A_430 : f32 to vector<16xf32>
        %sub3A_450 = arith.subf %broadcast_in_dim3A_449, %get3A_18 : vector<16xf32>
        %min3A_451 = arith.minimumf %sub3A_448, %sub3A_450 : vector<16xf32>
        %broadcast_in_dim3A_452 = vector.broadcast %squeeze3A_432 : f32 to vector<16xf32>
        %sub3A_453 = arith.subf %get3A_21, %broadcast_in_dim3A_452 : vector<16xf32>
        %min3A_454 = arith.minimumf %min3A_451, %sub3A_453 : vector<16xf32>
        %broadcast_in_dim3A_455 = vector.broadcast %squeeze3A_434 : f32 to vector<16xf32>
        %sub3A_456 = arith.subf %get3A_24, %broadcast_in_dim3A_455 : vector<16xf32>
        %min3A_457 = arith.minimumf %min3A_454, %sub3A_456 : vector<16xf32>
        %broadcast_in_dim3A_458 = vector.broadcast %max3A_440 : f32 to vector<16xf32>
        %sub3A_459 = arith.subf %broadcast_in_dim3A_458, %sub3A_29 : vector<16xf32>
        %min3A_460 = arith.minimumf %min3A_457, %sub3A_459 : vector<16xf32>
        %broadcast_in_dim3A_461 = vector.broadcast %mul3A_443 : f32 to vector<16xf32>
        %sub3A_462 = arith.subf %broadcast_in_dim3A_461, %mul3A_33 : vector<16xf32>
        %broadcast_in_dim3A_463 = vector.broadcast %mul3A_446 : f32 to vector<16xf32>
        %sub3A_464 = arith.subf %broadcast_in_dim3A_463, %mul3A_37 : vector<16xf32>
        %mul3A_465 = arith.mulf %sub3A_462, %sub3A_462 : vector<16xf32>
        %mul3A_466 = arith.mulf %sub3A_464, %sub3A_464 : vector<16xf32>
        %add3A_467 = arith.addf %mul3A_465, %mul3A_466 : vector<16xf32>
        %sub3A_468 = arith.subf %mul3A_38, %add3A_467 : vector<16xf32>
        %min3A_469 = arith.minimumf %min3A_460, %sub3A_468 : vector<16xf32>
        %ge3A_470 = arith.constant 0.000000e+00 : f32
        %ge3A_471 = vector.broadcast %ge3A_470 : f32 to vector<16xf32>
        %ge3A_472 = arith.cmpf oge, %min3A_469, %ge3A_471 : vector<16xf32>
        %add3A_473 = arith.constant 6 : i32
        %add3A_474 = arith.addi %mul3A_62, %add3A_473 : i32
        %broadcast_in_dim3A_475 = vector.broadcast %add3A_474 : i32 to vector<16xi32>
        %jit3A_476 = arith.constant 208 : i32
        %broadcast_in_dim3A_477 = vector.broadcast %jit3A_476 : i32 to vector<16xi32>
        %select_n3A_478 = arith.select %ge3A_472, %broadcast_in_dim3A_475, %broadcast_in_dim3A_477 : vector<16xi1>, vector<16xi32>
        %min3A_479 = arith.minsi %min3A_420, %select_n3A_478 : vector<16xi32>
        %jit3A_480 = arith.constant 1 : i32
        %jit3A_481 = arith.constant 0 : i32
        %broadcast_in_dim3A_482 = vector.broadcast %jit3A_480 : i32 to vector<16xi32>
        %broadcast_in_dim3A_483 = vector.broadcast %jit3A_481 : i32 to vector<16xi32>
        %select_n3A_484 = arith.select %ge3A_472, %broadcast_in_dim3A_482, %broadcast_in_dim3A_483 : vector<16xi1>, vector<16xi32>
        %add3A_485 = arith.addi %add3A_426, %select_n3A_484 : vector<16xi32>
        %slice3A_486 = vector.extract_strided_slice %get3A_65 {offsets = [7], sizes = [1], strides = [1]} : vector<16xf32> to vector<1xf32>
        %squeeze3A_487 = vector.extract %slice3A_486[0] : f32 from vector<1xf32>
        %slice3A_488 = vector.extract_strided_slice %get3A_68 {offsets = [7], sizes = [1], strides = [1]} : vector<16xf32> to vector<1xf32>
        %squeeze3A_489 = vector.extract %slice3A_488[0] : f32 from vector<1xf32>
        %slice3A_490 = vector.extract_strided_slice %get3A_71 {offsets = [7], sizes = [1], strides = [1]} : vector<16xf32> to vector<1xf32>
        %squeeze3A_491 = vector.extract %slice3A_490[0] : f32 from vector<1xf32>
        %slice3A_492 = vector.extract_strided_slice %get3A_74 {offsets = [7], sizes = [1], strides = [1]} : vector<16xf32> to vector<1xf32>
        %squeeze3A_493 = vector.extract %slice3A_492[0] : f32 from vector<1xf32>
        %sub3A_494 = arith.subf %squeeze3A_491, %squeeze3A_487 : f32
        %sub3A_495 = arith.subf %squeeze3A_493, %squeeze3A_489 : f32
        %max3A_496 = arith.maximumf %sub3A_494, %sub3A_495 : f32
        %mul3A_497 = arith.constant 2.000000e+00 : f32
        %mul3A_498 = arith.mulf %max3A_496, %mul3A_497 : f32
        %max3A_499 = arith.maximumf %mul3A_498, %squeeze3A : f32
        %add3A_500 = arith.addf %squeeze3A_487, %squeeze3A_491 : f32
        %mul3A_501 = arith.constant 5.000000e-01 : f32
        %mul3A_502 = arith.mulf %add3A_500, %mul3A_501 : f32
        %add3A_503 = arith.addf %squeeze3A_489, %squeeze3A_493 : f32
        %mul3A_504 = arith.constant 5.000000e-01 : f32
        %mul3A_505 = arith.mulf %add3A_503, %mul3A_504 : f32
        %broadcast_in_dim3A_506 = vector.broadcast %squeeze3A_487 : f32 to vector<16xf32>
        %sub3A_507 = arith.subf %broadcast_in_dim3A_506, %get3A_15 : vector<16xf32>
        %broadcast_in_dim3A_508 = vector.broadcast %squeeze3A_489 : f32 to vector<16xf32>
        %sub3A_509 = arith.subf %broadcast_in_dim3A_508, %get3A_18 : vector<16xf32>
        %min3A_510 = arith.minimumf %sub3A_507, %sub3A_509 : vector<16xf32>
        %broadcast_in_dim3A_511 = vector.broadcast %squeeze3A_491 : f32 to vector<16xf32>
        %sub3A_512 = arith.subf %get3A_21, %broadcast_in_dim3A_511 : vector<16xf32>
        %min3A_513 = arith.minimumf %min3A_510, %sub3A_512 : vector<16xf32>
        %broadcast_in_dim3A_514 = vector.broadcast %squeeze3A_493 : f32 to vector<16xf32>
        %sub3A_515 = arith.subf %get3A_24, %broadcast_in_dim3A_514 : vector<16xf32>
        %min3A_516 = arith.minimumf %min3A_513, %sub3A_515 : vector<16xf32>
        %broadcast_in_dim3A_517 = vector.broadcast %max3A_499 : f32 to vector<16xf32>
        %sub3A_518 = arith.subf %broadcast_in_dim3A_517, %sub3A_29 : vector<16xf32>
        %min3A_519 = arith.minimumf %min3A_516, %sub3A_518 : vector<16xf32>
        %broadcast_in_dim3A_520 = vector.broadcast %mul3A_502 : f32 to vector<16xf32>
        %sub3A_521 = arith.subf %broadcast_in_dim3A_520, %mul3A_33 : vector<16xf32>
        %broadcast_in_dim3A_522 = vector.broadcast %mul3A_505 : f32 to vector<16xf32>
        %sub3A_523 = arith.subf %broadcast_in_dim3A_522, %mul3A_37 : vector<16xf32>
        %mul3A_524 = arith.mulf %sub3A_521, %sub3A_521 : vector<16xf32>
        %mul3A_525 = arith.mulf %sub3A_523, %sub3A_523 : vector<16xf32>
        %add3A_526 = arith.addf %mul3A_524, %mul3A_525 : vector<16xf32>
        %sub3A_527 = arith.subf %mul3A_38, %add3A_526 : vector<16xf32>
        %min3A_528 = arith.minimumf %min3A_519, %sub3A_527 : vector<16xf32>
        %ge3A_529 = arith.constant 0.000000e+00 : f32
        %ge3A_530 = vector.broadcast %ge3A_529 : f32 to vector<16xf32>
        %ge3A_531 = arith.cmpf oge, %min3A_528, %ge3A_530 : vector<16xf32>
        %add3A_532 = arith.constant 7 : i32
        %add3A_533 = arith.addi %mul3A_62, %add3A_532 : i32
        %broadcast_in_dim3A_534 = vector.broadcast %add3A_533 : i32 to vector<16xi32>
        %jit3A_535 = arith.constant 208 : i32
        %broadcast_in_dim3A_536 = vector.broadcast %jit3A_535 : i32 to vector<16xi32>
        %select_n3A_537 = arith.select %ge3A_531, %broadcast_in_dim3A_534, %broadcast_in_dim3A_536 : vector<16xi1>, vector<16xi32>
        %min3A_538 = arith.minsi %min3A_479, %select_n3A_537 : vector<16xi32>
        %jit3A_539 = arith.constant 1 : i32
        %jit3A_540 = arith.constant 0 : i32
        %broadcast_in_dim3A_541 = vector.broadcast %jit3A_539 : i32 to vector<16xi32>
        %broadcast_in_dim3A_542 = vector.broadcast %jit3A_540 : i32 to vector<16xi32>
        %select_n3A_543 = arith.select %ge3A_531, %broadcast_in_dim3A_541, %broadcast_in_dim3A_542 : vector<16xi1>, vector<16xi32>
        %add3A_544 = arith.addi %add3A_485, %select_n3A_543 : vector<16xi32>
        %slice3A_545 = vector.extract_strided_slice %get3A_65 {offsets = [8], sizes = [1], strides = [1]} : vector<16xf32> to vector<1xf32>
        %squeeze3A_546 = vector.extract %slice3A_545[0] : f32 from vector<1xf32>
        %slice3A_547 = vector.extract_strided_slice %get3A_68 {offsets = [8], sizes = [1], strides = [1]} : vector<16xf32> to vector<1xf32>
        %squeeze3A_548 = vector.extract %slice3A_547[0] : f32 from vector<1xf32>
        %slice3A_549 = vector.extract_strided_slice %get3A_71 {offsets = [8], sizes = [1], strides = [1]} : vector<16xf32> to vector<1xf32>
        %squeeze3A_550 = vector.extract %slice3A_549[0] : f32 from vector<1xf32>
        %slice3A_551 = vector.extract_strided_slice %get3A_74 {offsets = [8], sizes = [1], strides = [1]} : vector<16xf32> to vector<1xf32>
        %squeeze3A_552 = vector.extract %slice3A_551[0] : f32 from vector<1xf32>
        %sub3A_553 = arith.subf %squeeze3A_550, %squeeze3A_546 : f32
        %sub3A_554 = arith.subf %squeeze3A_552, %squeeze3A_548 : f32
        %max3A_555 = arith.maximumf %sub3A_553, %sub3A_554 : f32
        %mul3A_556 = arith.constant 2.000000e+00 : f32
        %mul3A_557 = arith.mulf %max3A_555, %mul3A_556 : f32
        %max3A_558 = arith.maximumf %mul3A_557, %squeeze3A : f32
        %add3A_559 = arith.addf %squeeze3A_546, %squeeze3A_550 : f32
        %mul3A_560 = arith.constant 5.000000e-01 : f32
        %mul3A_561 = arith.mulf %add3A_559, %mul3A_560 : f32
        %add3A_562 = arith.addf %squeeze3A_548, %squeeze3A_552 : f32
        %mul3A_563 = arith.constant 5.000000e-01 : f32
        %mul3A_564 = arith.mulf %add3A_562, %mul3A_563 : f32
        %broadcast_in_dim3A_565 = vector.broadcast %squeeze3A_546 : f32 to vector<16xf32>
        %sub3A_566 = arith.subf %broadcast_in_dim3A_565, %get3A_15 : vector<16xf32>
        %broadcast_in_dim3A_567 = vector.broadcast %squeeze3A_548 : f32 to vector<16xf32>
        %sub3A_568 = arith.subf %broadcast_in_dim3A_567, %get3A_18 : vector<16xf32>
        %min3A_569 = arith.minimumf %sub3A_566, %sub3A_568 : vector<16xf32>
        %broadcast_in_dim3A_570 = vector.broadcast %squeeze3A_550 : f32 to vector<16xf32>
        %sub3A_571 = arith.subf %get3A_21, %broadcast_in_dim3A_570 : vector<16xf32>
        %min3A_572 = arith.minimumf %min3A_569, %sub3A_571 : vector<16xf32>
        %broadcast_in_dim3A_573 = vector.broadcast %squeeze3A_552 : f32 to vector<16xf32>
        %sub3A_574 = arith.subf %get3A_24, %broadcast_in_dim3A_573 : vector<16xf32>
        %min3A_575 = arith.minimumf %min3A_572, %sub3A_574 : vector<16xf32>
        %broadcast_in_dim3A_576 = vector.broadcast %max3A_558 : f32 to vector<16xf32>
        %sub3A_577 = arith.subf %broadcast_in_dim3A_576, %sub3A_29 : vector<16xf32>
        %min3A_578 = arith.minimumf %min3A_575, %sub3A_577 : vector<16xf32>
        %broadcast_in_dim3A_579 = vector.broadcast %mul3A_561 : f32 to vector<16xf32>
        %sub3A_580 = arith.subf %broadcast_in_dim3A_579, %mul3A_33 : vector<16xf32>
        %broadcast_in_dim3A_581 = vector.broadcast %mul3A_564 : f32 to vector<16xf32>
        %sub3A_582 = arith.subf %broadcast_in_dim3A_581, %mul3A_37 : vector<16xf32>
        %mul3A_583 = arith.mulf %sub3A_580, %sub3A_580 : vector<16xf32>
        %mul3A_584 = arith.mulf %sub3A_582, %sub3A_582 : vector<16xf32>
        %add3A_585 = arith.addf %mul3A_583, %mul3A_584 : vector<16xf32>
        %sub3A_586 = arith.subf %mul3A_38, %add3A_585 : vector<16xf32>
        %min3A_587 = arith.minimumf %min3A_578, %sub3A_586 : vector<16xf32>
        %ge3A_588 = arith.constant 0.000000e+00 : f32
        %ge3A_589 = vector.broadcast %ge3A_588 : f32 to vector<16xf32>
        %ge3A_590 = arith.cmpf oge, %min3A_587, %ge3A_589 : vector<16xf32>
        %add3A_591 = arith.constant 8 : i32
        %add3A_592 = arith.addi %mul3A_62, %add3A_591 : i32
        %broadcast_in_dim3A_593 = vector.broadcast %add3A_592 : i32 to vector<16xi32>
        %jit3A_594 = arith.constant 208 : i32
        %broadcast_in_dim3A_595 = vector.broadcast %jit3A_594 : i32 to vector<16xi32>
        %select_n3A_596 = arith.select %ge3A_590, %broadcast_in_dim3A_593, %broadcast_in_dim3A_595 : vector<16xi1>, vector<16xi32>
        %min3A_597 = arith.minsi %min3A_538, %select_n3A_596 : vector<16xi32>
        %jit3A_598 = arith.constant 1 : i32
        %jit3A_599 = arith.constant 0 : i32
        %broadcast_in_dim3A_600 = vector.broadcast %jit3A_598 : i32 to vector<16xi32>
        %broadcast_in_dim3A_601 = vector.broadcast %jit3A_599 : i32 to vector<16xi32>
        %select_n3A_602 = arith.select %ge3A_590, %broadcast_in_dim3A_600, %broadcast_in_dim3A_601 : vector<16xi1>, vector<16xi32>
        %add3A_603 = arith.addi %add3A_544, %select_n3A_602 : vector<16xi32>
        %slice3A_604 = vector.extract_strided_slice %get3A_65 {offsets = [9], sizes = [1], strides = [1]} : vector<16xf32> to vector<1xf32>
        %squeeze3A_605 = vector.extract %slice3A_604[0] : f32 from vector<1xf32>
        %slice3A_606 = vector.extract_strided_slice %get3A_68 {offsets = [9], sizes = [1], strides = [1]} : vector<16xf32> to vector<1xf32>
        %squeeze3A_607 = vector.extract %slice3A_606[0] : f32 from vector<1xf32>
        %slice3A_608 = vector.extract_strided_slice %get3A_71 {offsets = [9], sizes = [1], strides = [1]} : vector<16xf32> to vector<1xf32>
        %squeeze3A_609 = vector.extract %slice3A_608[0] : f32 from vector<1xf32>
        %slice3A_610 = vector.extract_strided_slice %get3A_74 {offsets = [9], sizes = [1], strides = [1]} : vector<16xf32> to vector<1xf32>
        %squeeze3A_611 = vector.extract %slice3A_610[0] : f32 from vector<1xf32>
        %sub3A_612 = arith.subf %squeeze3A_609, %squeeze3A_605 : f32
        %sub3A_613 = arith.subf %squeeze3A_611, %squeeze3A_607 : f32
        %max3A_614 = arith.maximumf %sub3A_612, %sub3A_613 : f32
        %mul3A_615 = arith.constant 2.000000e+00 : f32
        %mul3A_616 = arith.mulf %max3A_614, %mul3A_615 : f32
        %max3A_617 = arith.maximumf %mul3A_616, %squeeze3A : f32
        %add3A_618 = arith.addf %squeeze3A_605, %squeeze3A_609 : f32
        %mul3A_619 = arith.constant 5.000000e-01 : f32
        %mul3A_620 = arith.mulf %add3A_618, %mul3A_619 : f32
        %add3A_621 = arith.addf %squeeze3A_607, %squeeze3A_611 : f32
        %mul3A_622 = arith.constant 5.000000e-01 : f32
        %mul3A_623 = arith.mulf %add3A_621, %mul3A_622 : f32
        %broadcast_in_dim3A_624 = vector.broadcast %squeeze3A_605 : f32 to vector<16xf32>
        %sub3A_625 = arith.subf %broadcast_in_dim3A_624, %get3A_15 : vector<16xf32>
        %broadcast_in_dim3A_626 = vector.broadcast %squeeze3A_607 : f32 to vector<16xf32>
        %sub3A_627 = arith.subf %broadcast_in_dim3A_626, %get3A_18 : vector<16xf32>
        %min3A_628 = arith.minimumf %sub3A_625, %sub3A_627 : vector<16xf32>
        %broadcast_in_dim3A_629 = vector.broadcast %squeeze3A_609 : f32 to vector<16xf32>
        %sub3A_630 = arith.subf %get3A_21, %broadcast_in_dim3A_629 : vector<16xf32>
        %min3A_631 = arith.minimumf %min3A_628, %sub3A_630 : vector<16xf32>
        %broadcast_in_dim3A_632 = vector.broadcast %squeeze3A_611 : f32 to vector<16xf32>
        %sub3A_633 = arith.subf %get3A_24, %broadcast_in_dim3A_632 : vector<16xf32>
        %min3A_634 = arith.minimumf %min3A_631, %sub3A_633 : vector<16xf32>
        %broadcast_in_dim3A_635 = vector.broadcast %max3A_617 : f32 to vector<16xf32>
        %sub3A_636 = arith.subf %broadcast_in_dim3A_635, %sub3A_29 : vector<16xf32>
        %min3A_637 = arith.minimumf %min3A_634, %sub3A_636 : vector<16xf32>
        %broadcast_in_dim3A_638 = vector.broadcast %mul3A_620 : f32 to vector<16xf32>
        %sub3A_639 = arith.subf %broadcast_in_dim3A_638, %mul3A_33 : vector<16xf32>
        %broadcast_in_dim3A_640 = vector.broadcast %mul3A_623 : f32 to vector<16xf32>
        %sub3A_641 = arith.subf %broadcast_in_dim3A_640, %mul3A_37 : vector<16xf32>
        %mul3A_642 = arith.mulf %sub3A_639, %sub3A_639 : vector<16xf32>
        %mul3A_643 = arith.mulf %sub3A_641, %sub3A_641 : vector<16xf32>
        %add3A_644 = arith.addf %mul3A_642, %mul3A_643 : vector<16xf32>
        %sub3A_645 = arith.subf %mul3A_38, %add3A_644 : vector<16xf32>
        %min3A_646 = arith.minimumf %min3A_637, %sub3A_645 : vector<16xf32>
        %ge3A_647 = arith.constant 0.000000e+00 : f32
        %ge3A_648 = vector.broadcast %ge3A_647 : f32 to vector<16xf32>
        %ge3A_649 = arith.cmpf oge, %min3A_646, %ge3A_648 : vector<16xf32>
        %add3A_650 = arith.constant 9 : i32
        %add3A_651 = arith.addi %mul3A_62, %add3A_650 : i32
        %broadcast_in_dim3A_652 = vector.broadcast %add3A_651 : i32 to vector<16xi32>
        %jit3A_653 = arith.constant 208 : i32
        %broadcast_in_dim3A_654 = vector.broadcast %jit3A_653 : i32 to vector<16xi32>
        %select_n3A_655 = arith.select %ge3A_649, %broadcast_in_dim3A_652, %broadcast_in_dim3A_654 : vector<16xi1>, vector<16xi32>
        %min3A_656 = arith.minsi %min3A_597, %select_n3A_655 : vector<16xi32>
        %jit3A_657 = arith.constant 1 : i32
        %jit3A_658 = arith.constant 0 : i32
        %broadcast_in_dim3A_659 = vector.broadcast %jit3A_657 : i32 to vector<16xi32>
        %broadcast_in_dim3A_660 = vector.broadcast %jit3A_658 : i32 to vector<16xi32>
        %select_n3A_661 = arith.select %ge3A_649, %broadcast_in_dim3A_659, %broadcast_in_dim3A_660 : vector<16xi1>, vector<16xi32>
        %add3A_662 = arith.addi %add3A_603, %select_n3A_661 : vector<16xi32>
        %slice3A_663 = vector.extract_strided_slice %get3A_65 {offsets = [10], sizes = [1], strides = [1]} : vector<16xf32> to vector<1xf32>
        %squeeze3A_664 = vector.extract %slice3A_663[0] : f32 from vector<1xf32>
        %slice3A_665 = vector.extract_strided_slice %get3A_68 {offsets = [10], sizes = [1], strides = [1]} : vector<16xf32> to vector<1xf32>
        %squeeze3A_666 = vector.extract %slice3A_665[0] : f32 from vector<1xf32>
        %slice3A_667 = vector.extract_strided_slice %get3A_71 {offsets = [10], sizes = [1], strides = [1]} : vector<16xf32> to vector<1xf32>
        %squeeze3A_668 = vector.extract %slice3A_667[0] : f32 from vector<1xf32>
        %slice3A_669 = vector.extract_strided_slice %get3A_74 {offsets = [10], sizes = [1], strides = [1]} : vector<16xf32> to vector<1xf32>
        %squeeze3A_670 = vector.extract %slice3A_669[0] : f32 from vector<1xf32>
        %sub3A_671 = arith.subf %squeeze3A_668, %squeeze3A_664 : f32
        %sub3A_672 = arith.subf %squeeze3A_670, %squeeze3A_666 : f32
        %max3A_673 = arith.maximumf %sub3A_671, %sub3A_672 : f32
        %mul3A_674 = arith.constant 2.000000e+00 : f32
        %mul3A_675 = arith.mulf %max3A_673, %mul3A_674 : f32
        %max3A_676 = arith.maximumf %mul3A_675, %squeeze3A : f32
        %add3A_677 = arith.addf %squeeze3A_664, %squeeze3A_668 : f32
        %mul3A_678 = arith.constant 5.000000e-01 : f32
        %mul3A_679 = arith.mulf %add3A_677, %mul3A_678 : f32
        %add3A_680 = arith.addf %squeeze3A_666, %squeeze3A_670 : f32
        %mul3A_681 = arith.constant 5.000000e-01 : f32
        %mul3A_682 = arith.mulf %add3A_680, %mul3A_681 : f32
        %broadcast_in_dim3A_683 = vector.broadcast %squeeze3A_664 : f32 to vector<16xf32>
        %sub3A_684 = arith.subf %broadcast_in_dim3A_683, %get3A_15 : vector<16xf32>
        %broadcast_in_dim3A_685 = vector.broadcast %squeeze3A_666 : f32 to vector<16xf32>
        %sub3A_686 = arith.subf %broadcast_in_dim3A_685, %get3A_18 : vector<16xf32>
        %min3A_687 = arith.minimumf %sub3A_684, %sub3A_686 : vector<16xf32>
        %broadcast_in_dim3A_688 = vector.broadcast %squeeze3A_668 : f32 to vector<16xf32>
        %sub3A_689 = arith.subf %get3A_21, %broadcast_in_dim3A_688 : vector<16xf32>
        %min3A_690 = arith.minimumf %min3A_687, %sub3A_689 : vector<16xf32>
        %broadcast_in_dim3A_691 = vector.broadcast %squeeze3A_670 : f32 to vector<16xf32>
        %sub3A_692 = arith.subf %get3A_24, %broadcast_in_dim3A_691 : vector<16xf32>
        %min3A_693 = arith.minimumf %min3A_690, %sub3A_692 : vector<16xf32>
        %broadcast_in_dim3A_694 = vector.broadcast %max3A_676 : f32 to vector<16xf32>
        %sub3A_695 = arith.subf %broadcast_in_dim3A_694, %sub3A_29 : vector<16xf32>
        %min3A_696 = arith.minimumf %min3A_693, %sub3A_695 : vector<16xf32>
        %broadcast_in_dim3A_697 = vector.broadcast %mul3A_679 : f32 to vector<16xf32>
        %sub3A_698 = arith.subf %broadcast_in_dim3A_697, %mul3A_33 : vector<16xf32>
        %broadcast_in_dim3A_699 = vector.broadcast %mul3A_682 : f32 to vector<16xf32>
        %sub3A_700 = arith.subf %broadcast_in_dim3A_699, %mul3A_37 : vector<16xf32>
        %mul3A_701 = arith.mulf %sub3A_698, %sub3A_698 : vector<16xf32>
        %mul3A_702 = arith.mulf %sub3A_700, %sub3A_700 : vector<16xf32>
        %add3A_703 = arith.addf %mul3A_701, %mul3A_702 : vector<16xf32>
        %sub3A_704 = arith.subf %mul3A_38, %add3A_703 : vector<16xf32>
        %min3A_705 = arith.minimumf %min3A_696, %sub3A_704 : vector<16xf32>
        %ge3A_706 = arith.constant 0.000000e+00 : f32
        %ge3A_707 = vector.broadcast %ge3A_706 : f32 to vector<16xf32>
        %ge3A_708 = arith.cmpf oge, %min3A_705, %ge3A_707 : vector<16xf32>
        %add3A_709 = arith.constant 10 : i32
        %add3A_710 = arith.addi %mul3A_62, %add3A_709 : i32
        %broadcast_in_dim3A_711 = vector.broadcast %add3A_710 : i32 to vector<16xi32>
        %jit3A_712 = arith.constant 208 : i32
        %broadcast_in_dim3A_713 = vector.broadcast %jit3A_712 : i32 to vector<16xi32>
        %select_n3A_714 = arith.select %ge3A_708, %broadcast_in_dim3A_711, %broadcast_in_dim3A_713 : vector<16xi1>, vector<16xi32>
        %min3A_715 = arith.minsi %min3A_656, %select_n3A_714 : vector<16xi32>
        %jit3A_716 = arith.constant 1 : i32
        %jit3A_717 = arith.constant 0 : i32
        %broadcast_in_dim3A_718 = vector.broadcast %jit3A_716 : i32 to vector<16xi32>
        %broadcast_in_dim3A_719 = vector.broadcast %jit3A_717 : i32 to vector<16xi32>
        %select_n3A_720 = arith.select %ge3A_708, %broadcast_in_dim3A_718, %broadcast_in_dim3A_719 : vector<16xi1>, vector<16xi32>
        %add3A_721 = arith.addi %add3A_662, %select_n3A_720 : vector<16xi32>
        %slice3A_722 = vector.extract_strided_slice %get3A_65 {offsets = [11], sizes = [1], strides = [1]} : vector<16xf32> to vector<1xf32>
        %squeeze3A_723 = vector.extract %slice3A_722[0] : f32 from vector<1xf32>
        %slice3A_724 = vector.extract_strided_slice %get3A_68 {offsets = [11], sizes = [1], strides = [1]} : vector<16xf32> to vector<1xf32>
        %squeeze3A_725 = vector.extract %slice3A_724[0] : f32 from vector<1xf32>
        %slice3A_726 = vector.extract_strided_slice %get3A_71 {offsets = [11], sizes = [1], strides = [1]} : vector<16xf32> to vector<1xf32>
        %squeeze3A_727 = vector.extract %slice3A_726[0] : f32 from vector<1xf32>
        %slice3A_728 = vector.extract_strided_slice %get3A_74 {offsets = [11], sizes = [1], strides = [1]} : vector<16xf32> to vector<1xf32>
        %squeeze3A_729 = vector.extract %slice3A_728[0] : f32 from vector<1xf32>
        %sub3A_730 = arith.subf %squeeze3A_727, %squeeze3A_723 : f32
        %sub3A_731 = arith.subf %squeeze3A_729, %squeeze3A_725 : f32
        %max3A_732 = arith.maximumf %sub3A_730, %sub3A_731 : f32
        %mul3A_733 = arith.constant 2.000000e+00 : f32
        %mul3A_734 = arith.mulf %max3A_732, %mul3A_733 : f32
        %max3A_735 = arith.maximumf %mul3A_734, %squeeze3A : f32
        %add3A_736 = arith.addf %squeeze3A_723, %squeeze3A_727 : f32
        %mul3A_737 = arith.constant 5.000000e-01 : f32
        %mul3A_738 = arith.mulf %add3A_736, %mul3A_737 : f32
        %add3A_739 = arith.addf %squeeze3A_725, %squeeze3A_729 : f32
        %mul3A_740 = arith.constant 5.000000e-01 : f32
        %mul3A_741 = arith.mulf %add3A_739, %mul3A_740 : f32
        %broadcast_in_dim3A_742 = vector.broadcast %squeeze3A_723 : f32 to vector<16xf32>
        %sub3A_743 = arith.subf %broadcast_in_dim3A_742, %get3A_15 : vector<16xf32>
        %broadcast_in_dim3A_744 = vector.broadcast %squeeze3A_725 : f32 to vector<16xf32>
        %sub3A_745 = arith.subf %broadcast_in_dim3A_744, %get3A_18 : vector<16xf32>
        %min3A_746 = arith.minimumf %sub3A_743, %sub3A_745 : vector<16xf32>
        %broadcast_in_dim3A_747 = vector.broadcast %squeeze3A_727 : f32 to vector<16xf32>
        %sub3A_748 = arith.subf %get3A_21, %broadcast_in_dim3A_747 : vector<16xf32>
        %min3A_749 = arith.minimumf %min3A_746, %sub3A_748 : vector<16xf32>
        %broadcast_in_dim3A_750 = vector.broadcast %squeeze3A_729 : f32 to vector<16xf32>
        %sub3A_751 = arith.subf %get3A_24, %broadcast_in_dim3A_750 : vector<16xf32>
        %min3A_752 = arith.minimumf %min3A_749, %sub3A_751 : vector<16xf32>
        %broadcast_in_dim3A_753 = vector.broadcast %max3A_735 : f32 to vector<16xf32>
        %sub3A_754 = arith.subf %broadcast_in_dim3A_753, %sub3A_29 : vector<16xf32>
        %min3A_755 = arith.minimumf %min3A_752, %sub3A_754 : vector<16xf32>
        %broadcast_in_dim3A_756 = vector.broadcast %mul3A_738 : f32 to vector<16xf32>
        %sub3A_757 = arith.subf %broadcast_in_dim3A_756, %mul3A_33 : vector<16xf32>
        %broadcast_in_dim3A_758 = vector.broadcast %mul3A_741 : f32 to vector<16xf32>
        %sub3A_759 = arith.subf %broadcast_in_dim3A_758, %mul3A_37 : vector<16xf32>
        %mul3A_760 = arith.mulf %sub3A_757, %sub3A_757 : vector<16xf32>
        %mul3A_761 = arith.mulf %sub3A_759, %sub3A_759 : vector<16xf32>
        %add3A_762 = arith.addf %mul3A_760, %mul3A_761 : vector<16xf32>
        %sub3A_763 = arith.subf %mul3A_38, %add3A_762 : vector<16xf32>
        %min3A_764 = arith.minimumf %min3A_755, %sub3A_763 : vector<16xf32>
        %ge3A_765 = arith.constant 0.000000e+00 : f32
        %ge3A_766 = vector.broadcast %ge3A_765 : f32 to vector<16xf32>
        %ge3A_767 = arith.cmpf oge, %min3A_764, %ge3A_766 : vector<16xf32>
        %add3A_768 = arith.constant 11 : i32
        %add3A_769 = arith.addi %mul3A_62, %add3A_768 : i32
        %broadcast_in_dim3A_770 = vector.broadcast %add3A_769 : i32 to vector<16xi32>
        %jit3A_771 = arith.constant 208 : i32
        %broadcast_in_dim3A_772 = vector.broadcast %jit3A_771 : i32 to vector<16xi32>
        %select_n3A_773 = arith.select %ge3A_767, %broadcast_in_dim3A_770, %broadcast_in_dim3A_772 : vector<16xi1>, vector<16xi32>
        %min3A_774 = arith.minsi %min3A_715, %select_n3A_773 : vector<16xi32>
        %jit3A_775 = arith.constant 1 : i32
        %jit3A_776 = arith.constant 0 : i32
        %broadcast_in_dim3A_777 = vector.broadcast %jit3A_775 : i32 to vector<16xi32>
        %broadcast_in_dim3A_778 = vector.broadcast %jit3A_776 : i32 to vector<16xi32>
        %select_n3A_779 = arith.select %ge3A_767, %broadcast_in_dim3A_777, %broadcast_in_dim3A_778 : vector<16xi1>, vector<16xi32>
        %add3A_780 = arith.addi %add3A_721, %select_n3A_779 : vector<16xi32>
        %slice3A_781 = vector.extract_strided_slice %get3A_65 {offsets = [12], sizes = [1], strides = [1]} : vector<16xf32> to vector<1xf32>
        %squeeze3A_782 = vector.extract %slice3A_781[0] : f32 from vector<1xf32>
        %slice3A_783 = vector.extract_strided_slice %get3A_68 {offsets = [12], sizes = [1], strides = [1]} : vector<16xf32> to vector<1xf32>
        %squeeze3A_784 = vector.extract %slice3A_783[0] : f32 from vector<1xf32>
        %slice3A_785 = vector.extract_strided_slice %get3A_71 {offsets = [12], sizes = [1], strides = [1]} : vector<16xf32> to vector<1xf32>
        %squeeze3A_786 = vector.extract %slice3A_785[0] : f32 from vector<1xf32>
        %slice3A_787 = vector.extract_strided_slice %get3A_74 {offsets = [12], sizes = [1], strides = [1]} : vector<16xf32> to vector<1xf32>
        %squeeze3A_788 = vector.extract %slice3A_787[0] : f32 from vector<1xf32>
        %sub3A_789 = arith.subf %squeeze3A_786, %squeeze3A_782 : f32
        %sub3A_790 = arith.subf %squeeze3A_788, %squeeze3A_784 : f32
        %max3A_791 = arith.maximumf %sub3A_789, %sub3A_790 : f32
        %mul3A_792 = arith.constant 2.000000e+00 : f32
        %mul3A_793 = arith.mulf %max3A_791, %mul3A_792 : f32
        %max3A_794 = arith.maximumf %mul3A_793, %squeeze3A : f32
        %add3A_795 = arith.addf %squeeze3A_782, %squeeze3A_786 : f32
        %mul3A_796 = arith.constant 5.000000e-01 : f32
        %mul3A_797 = arith.mulf %add3A_795, %mul3A_796 : f32
        %add3A_798 = arith.addf %squeeze3A_784, %squeeze3A_788 : f32
        %mul3A_799 = arith.constant 5.000000e-01 : f32
        %mul3A_800 = arith.mulf %add3A_798, %mul3A_799 : f32
        %broadcast_in_dim3A_801 = vector.broadcast %squeeze3A_782 : f32 to vector<16xf32>
        %sub3A_802 = arith.subf %broadcast_in_dim3A_801, %get3A_15 : vector<16xf32>
        %broadcast_in_dim3A_803 = vector.broadcast %squeeze3A_784 : f32 to vector<16xf32>
        %sub3A_804 = arith.subf %broadcast_in_dim3A_803, %get3A_18 : vector<16xf32>
        %min3A_805 = arith.minimumf %sub3A_802, %sub3A_804 : vector<16xf32>
        %broadcast_in_dim3A_806 = vector.broadcast %squeeze3A_786 : f32 to vector<16xf32>
        %sub3A_807 = arith.subf %get3A_21, %broadcast_in_dim3A_806 : vector<16xf32>
        %min3A_808 = arith.minimumf %min3A_805, %sub3A_807 : vector<16xf32>
        %broadcast_in_dim3A_809 = vector.broadcast %squeeze3A_788 : f32 to vector<16xf32>
        %sub3A_810 = arith.subf %get3A_24, %broadcast_in_dim3A_809 : vector<16xf32>
        %min3A_811 = arith.minimumf %min3A_808, %sub3A_810 : vector<16xf32>
        %broadcast_in_dim3A_812 = vector.broadcast %max3A_794 : f32 to vector<16xf32>
        %sub3A_813 = arith.subf %broadcast_in_dim3A_812, %sub3A_29 : vector<16xf32>
        %min3A_814 = arith.minimumf %min3A_811, %sub3A_813 : vector<16xf32>
        %broadcast_in_dim3A_815 = vector.broadcast %mul3A_797 : f32 to vector<16xf32>
        %sub3A_816 = arith.subf %broadcast_in_dim3A_815, %mul3A_33 : vector<16xf32>
        %broadcast_in_dim3A_817 = vector.broadcast %mul3A_800 : f32 to vector<16xf32>
        %sub3A_818 = arith.subf %broadcast_in_dim3A_817, %mul3A_37 : vector<16xf32>
        %mul3A_819 = arith.mulf %sub3A_816, %sub3A_816 : vector<16xf32>
        %mul3A_820 = arith.mulf %sub3A_818, %sub3A_818 : vector<16xf32>
        %add3A_821 = arith.addf %mul3A_819, %mul3A_820 : vector<16xf32>
        %sub3A_822 = arith.subf %mul3A_38, %add3A_821 : vector<16xf32>
        %min3A_823 = arith.minimumf %min3A_814, %sub3A_822 : vector<16xf32>
        %ge3A_824 = arith.constant 0.000000e+00 : f32
        %ge3A_825 = vector.broadcast %ge3A_824 : f32 to vector<16xf32>
        %ge3A_826 = arith.cmpf oge, %min3A_823, %ge3A_825 : vector<16xf32>
        %add3A_827 = arith.constant 12 : i32
        %add3A_828 = arith.addi %mul3A_62, %add3A_827 : i32
        %broadcast_in_dim3A_829 = vector.broadcast %add3A_828 : i32 to vector<16xi32>
        %jit3A_830 = arith.constant 208 : i32
        %broadcast_in_dim3A_831 = vector.broadcast %jit3A_830 : i32 to vector<16xi32>
        %select_n3A_832 = arith.select %ge3A_826, %broadcast_in_dim3A_829, %broadcast_in_dim3A_831 : vector<16xi1>, vector<16xi32>
        %min3A_833 = arith.minsi %min3A_774, %select_n3A_832 : vector<16xi32>
        %jit3A_834 = arith.constant 1 : i32
        %jit3A_835 = arith.constant 0 : i32
        %broadcast_in_dim3A_836 = vector.broadcast %jit3A_834 : i32 to vector<16xi32>
        %broadcast_in_dim3A_837 = vector.broadcast %jit3A_835 : i32 to vector<16xi32>
        %select_n3A_838 = arith.select %ge3A_826, %broadcast_in_dim3A_836, %broadcast_in_dim3A_837 : vector<16xi1>, vector<16xi32>
        %add3A_839 = arith.addi %add3A_780, %select_n3A_838 : vector<16xi32>
        %slice3A_840 = vector.extract_strided_slice %get3A_65 {offsets = [13], sizes = [1], strides = [1]} : vector<16xf32> to vector<1xf32>
        %squeeze3A_841 = vector.extract %slice3A_840[0] : f32 from vector<1xf32>
        %slice3A_842 = vector.extract_strided_slice %get3A_68 {offsets = [13], sizes = [1], strides = [1]} : vector<16xf32> to vector<1xf32>
        %squeeze3A_843 = vector.extract %slice3A_842[0] : f32 from vector<1xf32>
        %slice3A_844 = vector.extract_strided_slice %get3A_71 {offsets = [13], sizes = [1], strides = [1]} : vector<16xf32> to vector<1xf32>
        %squeeze3A_845 = vector.extract %slice3A_844[0] : f32 from vector<1xf32>
        %slice3A_846 = vector.extract_strided_slice %get3A_74 {offsets = [13], sizes = [1], strides = [1]} : vector<16xf32> to vector<1xf32>
        %squeeze3A_847 = vector.extract %slice3A_846[0] : f32 from vector<1xf32>
        %sub3A_848 = arith.subf %squeeze3A_845, %squeeze3A_841 : f32
        %sub3A_849 = arith.subf %squeeze3A_847, %squeeze3A_843 : f32
        %max3A_850 = arith.maximumf %sub3A_848, %sub3A_849 : f32
        %mul3A_851 = arith.constant 2.000000e+00 : f32
        %mul3A_852 = arith.mulf %max3A_850, %mul3A_851 : f32
        %max3A_853 = arith.maximumf %mul3A_852, %squeeze3A : f32
        %add3A_854 = arith.addf %squeeze3A_841, %squeeze3A_845 : f32
        %mul3A_855 = arith.constant 5.000000e-01 : f32
        %mul3A_856 = arith.mulf %add3A_854, %mul3A_855 : f32
        %add3A_857 = arith.addf %squeeze3A_843, %squeeze3A_847 : f32
        %mul3A_858 = arith.constant 5.000000e-01 : f32
        %mul3A_859 = arith.mulf %add3A_857, %mul3A_858 : f32
        %broadcast_in_dim3A_860 = vector.broadcast %squeeze3A_841 : f32 to vector<16xf32>
        %sub3A_861 = arith.subf %broadcast_in_dim3A_860, %get3A_15 : vector<16xf32>
        %broadcast_in_dim3A_862 = vector.broadcast %squeeze3A_843 : f32 to vector<16xf32>
        %sub3A_863 = arith.subf %broadcast_in_dim3A_862, %get3A_18 : vector<16xf32>
        %min3A_864 = arith.minimumf %sub3A_861, %sub3A_863 : vector<16xf32>
        %broadcast_in_dim3A_865 = vector.broadcast %squeeze3A_845 : f32 to vector<16xf32>
        %sub3A_866 = arith.subf %get3A_21, %broadcast_in_dim3A_865 : vector<16xf32>
        %min3A_867 = arith.minimumf %min3A_864, %sub3A_866 : vector<16xf32>
        %broadcast_in_dim3A_868 = vector.broadcast %squeeze3A_847 : f32 to vector<16xf32>
        %sub3A_869 = arith.subf %get3A_24, %broadcast_in_dim3A_868 : vector<16xf32>
        %min3A_870 = arith.minimumf %min3A_867, %sub3A_869 : vector<16xf32>
        %broadcast_in_dim3A_871 = vector.broadcast %max3A_853 : f32 to vector<16xf32>
        %sub3A_872 = arith.subf %broadcast_in_dim3A_871, %sub3A_29 : vector<16xf32>
        %min3A_873 = arith.minimumf %min3A_870, %sub3A_872 : vector<16xf32>
        %broadcast_in_dim3A_874 = vector.broadcast %mul3A_856 : f32 to vector<16xf32>
        %sub3A_875 = arith.subf %broadcast_in_dim3A_874, %mul3A_33 : vector<16xf32>
        %broadcast_in_dim3A_876 = vector.broadcast %mul3A_859 : f32 to vector<16xf32>
        %sub3A_877 = arith.subf %broadcast_in_dim3A_876, %mul3A_37 : vector<16xf32>
        %mul3A_878 = arith.mulf %sub3A_875, %sub3A_875 : vector<16xf32>
        %mul3A_879 = arith.mulf %sub3A_877, %sub3A_877 : vector<16xf32>
        %add3A_880 = arith.addf %mul3A_878, %mul3A_879 : vector<16xf32>
        %sub3A_881 = arith.subf %mul3A_38, %add3A_880 : vector<16xf32>
        %min3A_882 = arith.minimumf %min3A_873, %sub3A_881 : vector<16xf32>
        %ge3A_883 = arith.constant 0.000000e+00 : f32
        %ge3A_884 = vector.broadcast %ge3A_883 : f32 to vector<16xf32>
        %ge3A_885 = arith.cmpf oge, %min3A_882, %ge3A_884 : vector<16xf32>
        %add3A_886 = arith.constant 13 : i32
        %add3A_887 = arith.addi %mul3A_62, %add3A_886 : i32
        %broadcast_in_dim3A_888 = vector.broadcast %add3A_887 : i32 to vector<16xi32>
        %jit3A_889 = arith.constant 208 : i32
        %broadcast_in_dim3A_890 = vector.broadcast %jit3A_889 : i32 to vector<16xi32>
        %select_n3A_891 = arith.select %ge3A_885, %broadcast_in_dim3A_888, %broadcast_in_dim3A_890 : vector<16xi1>, vector<16xi32>
        %min3A_892 = arith.minsi %min3A_833, %select_n3A_891 : vector<16xi32>
        %jit3A_893 = arith.constant 1 : i32
        %jit3A_894 = arith.constant 0 : i32
        %broadcast_in_dim3A_895 = vector.broadcast %jit3A_893 : i32 to vector<16xi32>
        %broadcast_in_dim3A_896 = vector.broadcast %jit3A_894 : i32 to vector<16xi32>
        %select_n3A_897 = arith.select %ge3A_885, %broadcast_in_dim3A_895, %broadcast_in_dim3A_896 : vector<16xi1>, vector<16xi32>
        %add3A_898 = arith.addi %add3A_839, %select_n3A_897 : vector<16xi32>
        %slice3A_899 = vector.extract_strided_slice %get3A_65 {offsets = [14], sizes = [1], strides = [1]} : vector<16xf32> to vector<1xf32>
        %squeeze3A_900 = vector.extract %slice3A_899[0] : f32 from vector<1xf32>
        %slice3A_901 = vector.extract_strided_slice %get3A_68 {offsets = [14], sizes = [1], strides = [1]} : vector<16xf32> to vector<1xf32>
        %squeeze3A_902 = vector.extract %slice3A_901[0] : f32 from vector<1xf32>
        %slice3A_903 = vector.extract_strided_slice %get3A_71 {offsets = [14], sizes = [1], strides = [1]} : vector<16xf32> to vector<1xf32>
        %squeeze3A_904 = vector.extract %slice3A_903[0] : f32 from vector<1xf32>
        %slice3A_905 = vector.extract_strided_slice %get3A_74 {offsets = [14], sizes = [1], strides = [1]} : vector<16xf32> to vector<1xf32>
        %squeeze3A_906 = vector.extract %slice3A_905[0] : f32 from vector<1xf32>
        %sub3A_907 = arith.subf %squeeze3A_904, %squeeze3A_900 : f32
        %sub3A_908 = arith.subf %squeeze3A_906, %squeeze3A_902 : f32
        %max3A_909 = arith.maximumf %sub3A_907, %sub3A_908 : f32
        %mul3A_910 = arith.constant 2.000000e+00 : f32
        %mul3A_911 = arith.mulf %max3A_909, %mul3A_910 : f32
        %max3A_912 = arith.maximumf %mul3A_911, %squeeze3A : f32
        %add3A_913 = arith.addf %squeeze3A_900, %squeeze3A_904 : f32
        %mul3A_914 = arith.constant 5.000000e-01 : f32
        %mul3A_915 = arith.mulf %add3A_913, %mul3A_914 : f32
        %add3A_916 = arith.addf %squeeze3A_902, %squeeze3A_906 : f32
        %mul3A_917 = arith.constant 5.000000e-01 : f32
        %mul3A_918 = arith.mulf %add3A_916, %mul3A_917 : f32
        %broadcast_in_dim3A_919 = vector.broadcast %squeeze3A_900 : f32 to vector<16xf32>
        %sub3A_920 = arith.subf %broadcast_in_dim3A_919, %get3A_15 : vector<16xf32>
        %broadcast_in_dim3A_921 = vector.broadcast %squeeze3A_902 : f32 to vector<16xf32>
        %sub3A_922 = arith.subf %broadcast_in_dim3A_921, %get3A_18 : vector<16xf32>
        %min3A_923 = arith.minimumf %sub3A_920, %sub3A_922 : vector<16xf32>
        %broadcast_in_dim3A_924 = vector.broadcast %squeeze3A_904 : f32 to vector<16xf32>
        %sub3A_925 = arith.subf %get3A_21, %broadcast_in_dim3A_924 : vector<16xf32>
        %min3A_926 = arith.minimumf %min3A_923, %sub3A_925 : vector<16xf32>
        %broadcast_in_dim3A_927 = vector.broadcast %squeeze3A_906 : f32 to vector<16xf32>
        %sub3A_928 = arith.subf %get3A_24, %broadcast_in_dim3A_927 : vector<16xf32>
        %min3A_929 = arith.minimumf %min3A_926, %sub3A_928 : vector<16xf32>
        %broadcast_in_dim3A_930 = vector.broadcast %max3A_912 : f32 to vector<16xf32>
        %sub3A_931 = arith.subf %broadcast_in_dim3A_930, %sub3A_29 : vector<16xf32>
        %min3A_932 = arith.minimumf %min3A_929, %sub3A_931 : vector<16xf32>
        %broadcast_in_dim3A_933 = vector.broadcast %mul3A_915 : f32 to vector<16xf32>
        %sub3A_934 = arith.subf %broadcast_in_dim3A_933, %mul3A_33 : vector<16xf32>
        %broadcast_in_dim3A_935 = vector.broadcast %mul3A_918 : f32 to vector<16xf32>
        %sub3A_936 = arith.subf %broadcast_in_dim3A_935, %mul3A_37 : vector<16xf32>
        %mul3A_937 = arith.mulf %sub3A_934, %sub3A_934 : vector<16xf32>
        %mul3A_938 = arith.mulf %sub3A_936, %sub3A_936 : vector<16xf32>
        %add3A_939 = arith.addf %mul3A_937, %mul3A_938 : vector<16xf32>
        %sub3A_940 = arith.subf %mul3A_38, %add3A_939 : vector<16xf32>
        %min3A_941 = arith.minimumf %min3A_932, %sub3A_940 : vector<16xf32>
        %ge3A_942 = arith.constant 0.000000e+00 : f32
        %ge3A_943 = vector.broadcast %ge3A_942 : f32 to vector<16xf32>
        %ge3A_944 = arith.cmpf oge, %min3A_941, %ge3A_943 : vector<16xf32>
        %add3A_945 = arith.constant 14 : i32
        %add3A_946 = arith.addi %mul3A_62, %add3A_945 : i32
        %broadcast_in_dim3A_947 = vector.broadcast %add3A_946 : i32 to vector<16xi32>
        %jit3A_948 = arith.constant 208 : i32
        %broadcast_in_dim3A_949 = vector.broadcast %jit3A_948 : i32 to vector<16xi32>
        %select_n3A_950 = arith.select %ge3A_944, %broadcast_in_dim3A_947, %broadcast_in_dim3A_949 : vector<16xi1>, vector<16xi32>
        %min3A_951 = arith.minsi %min3A_892, %select_n3A_950 : vector<16xi32>
        %jit3A_952 = arith.constant 1 : i32
        %jit3A_953 = arith.constant 0 : i32
        %broadcast_in_dim3A_954 = vector.broadcast %jit3A_952 : i32 to vector<16xi32>
        %broadcast_in_dim3A_955 = vector.broadcast %jit3A_953 : i32 to vector<16xi32>
        %select_n3A_956 = arith.select %ge3A_944, %broadcast_in_dim3A_954, %broadcast_in_dim3A_955 : vector<16xi1>, vector<16xi32>
        %add3A_957 = arith.addi %add3A_898, %select_n3A_956 : vector<16xi32>
        %slice3A_958 = vector.extract_strided_slice %get3A_65 {offsets = [15], sizes = [1], strides = [1]} : vector<16xf32> to vector<1xf32>
        %squeeze3A_959 = vector.extract %slice3A_958[0] : f32 from vector<1xf32>
        %slice3A_960 = vector.extract_strided_slice %get3A_68 {offsets = [15], sizes = [1], strides = [1]} : vector<16xf32> to vector<1xf32>
        %squeeze3A_961 = vector.extract %slice3A_960[0] : f32 from vector<1xf32>
        %slice3A_962 = vector.extract_strided_slice %get3A_71 {offsets = [15], sizes = [1], strides = [1]} : vector<16xf32> to vector<1xf32>
        %squeeze3A_963 = vector.extract %slice3A_962[0] : f32 from vector<1xf32>
        %slice3A_964 = vector.extract_strided_slice %get3A_74 {offsets = [15], sizes = [1], strides = [1]} : vector<16xf32> to vector<1xf32>
        %squeeze3A_965 = vector.extract %slice3A_964[0] : f32 from vector<1xf32>
        %sub3A_966 = arith.subf %squeeze3A_963, %squeeze3A_959 : f32
        %sub3A_967 = arith.subf %squeeze3A_965, %squeeze3A_961 : f32
        %max3A_968 = arith.maximumf %sub3A_966, %sub3A_967 : f32
        %mul3A_969 = arith.constant 2.000000e+00 : f32
        %mul3A_970 = arith.mulf %max3A_968, %mul3A_969 : f32
        %max3A_971 = arith.maximumf %mul3A_970, %squeeze3A : f32
        %add3A_972 = arith.addf %squeeze3A_959, %squeeze3A_963 : f32
        %mul3A_973 = arith.constant 5.000000e-01 : f32
        %mul3A_974 = arith.mulf %add3A_972, %mul3A_973 : f32
        %add3A_975 = arith.addf %squeeze3A_961, %squeeze3A_965 : f32
        %mul3A_976 = arith.constant 5.000000e-01 : f32
        %mul3A_977 = arith.mulf %add3A_975, %mul3A_976 : f32
        %broadcast_in_dim3A_978 = vector.broadcast %squeeze3A_959 : f32 to vector<16xf32>
        %sub3A_979 = arith.subf %broadcast_in_dim3A_978, %get3A_15 : vector<16xf32>
        %broadcast_in_dim3A_980 = vector.broadcast %squeeze3A_961 : f32 to vector<16xf32>
        %sub3A_981 = arith.subf %broadcast_in_dim3A_980, %get3A_18 : vector<16xf32>
        %min3A_982 = arith.minimumf %sub3A_979, %sub3A_981 : vector<16xf32>
        %broadcast_in_dim3A_983 = vector.broadcast %squeeze3A_963 : f32 to vector<16xf32>
        %sub3A_984 = arith.subf %get3A_21, %broadcast_in_dim3A_983 : vector<16xf32>
        %min3A_985 = arith.minimumf %min3A_982, %sub3A_984 : vector<16xf32>
        %broadcast_in_dim3A_986 = vector.broadcast %squeeze3A_965 : f32 to vector<16xf32>
        %sub3A_987 = arith.subf %get3A_24, %broadcast_in_dim3A_986 : vector<16xf32>
        %min3A_988 = arith.minimumf %min3A_985, %sub3A_987 : vector<16xf32>
        %broadcast_in_dim3A_989 = vector.broadcast %max3A_971 : f32 to vector<16xf32>
        %sub3A_990 = arith.subf %broadcast_in_dim3A_989, %sub3A_29 : vector<16xf32>
        %min3A_991 = arith.minimumf %min3A_988, %sub3A_990 : vector<16xf32>
        %broadcast_in_dim3A_992 = vector.broadcast %mul3A_974 : f32 to vector<16xf32>
        %sub3A_993 = arith.subf %broadcast_in_dim3A_992, %mul3A_33 : vector<16xf32>
        %broadcast_in_dim3A_994 = vector.broadcast %mul3A_977 : f32 to vector<16xf32>
        %sub3A_995 = arith.subf %broadcast_in_dim3A_994, %mul3A_37 : vector<16xf32>
        %mul3A_996 = arith.mulf %sub3A_993, %sub3A_993 : vector<16xf32>
        %mul3A_997 = arith.mulf %sub3A_995, %sub3A_995 : vector<16xf32>
        %add3A_998 = arith.addf %mul3A_996, %mul3A_997 : vector<16xf32>
        %sub3A_999 = arith.subf %mul3A_38, %add3A_998 : vector<16xf32>
        %min3A_1000 = arith.minimumf %min3A_991, %sub3A_999 : vector<16xf32>
        %ge3A_1001 = arith.constant 0.000000e+00 : f32
        %ge3A_1002 = vector.broadcast %ge3A_1001 : f32 to vector<16xf32>
        %ge3A_1003 = arith.cmpf oge, %min3A_1000, %ge3A_1002 : vector<16xf32>
        %add3A_1004 = arith.constant 15 : i32
        %add3A_1005 = arith.addi %mul3A_62, %add3A_1004 : i32
        %broadcast_in_dim3A_1006 = vector.broadcast %add3A_1005 : i32 to vector<16xi32>
        %jit3A_1007 = arith.constant 208 : i32
        %broadcast_in_dim3A_1008 = vector.broadcast %jit3A_1007 : i32 to vector<16xi32>
        %select_n3A_1009 = arith.select %ge3A_1003, %broadcast_in_dim3A_1006, %broadcast_in_dim3A_1008 : vector<16xi1>, vector<16xi32>
        %min3A_1010 = arith.minsi %min3A_951, %select_n3A_1009 : vector<16xi32>
        %jit3A_1011 = arith.constant 1 : i32
        %jit3A_1012 = arith.constant 0 : i32
        %broadcast_in_dim3A_1013 = vector.broadcast %jit3A_1011 : i32 to vector<16xi32>
        %broadcast_in_dim3A_1014 = vector.broadcast %jit3A_1012 : i32 to vector<16xi32>
        %select_n3A_1015 = arith.select %ge3A_1003, %broadcast_in_dim3A_1013, %broadcast_in_dim3A_1014 : vector<16xi1>, vector<16xi32>
        %add3A_1016 = arith.addi %add3A_957, %select_n3A_1015 : vector<16xi32>
        scf.yield %min3A_1010, %add3A_1016 : vector<16xi32>, vector<16xi32>
      }
      %scan3A_47 = arith.constant 13 : i32
      %gt3A = arith.constant 0 : i32
      %gt3A_48 = vector.broadcast %gt3A : i32 to vector<16xi32>
      %gt3A_49 = arith.cmpi sgt, %scan3A_46#1, %gt3A_48 : vector<16xi32>
      %jit3A = arith.constant 0 : i32
      %broadcast_in_dim3A_50 = vector.broadcast %jit3A : i32 to vector<16xi32>
      %select_n3A = arith.select %gt3A_49, %scan3A_46#0, %broadcast_in_dim3A_50 : vector<16xi1>, vector<16xi32>
      %swap3A = arith.index_cast %mul3A_12 : i32 to index
      %swap3A_51 = tpu.vector_load %arg24[%swap3A] {strides = array<i32>} : memref<80xi32, #tpu.memory_space<vmem>>, vector<16xi32>,
      %swap3A_52 = vector.shape_cast %swap3A_51 : vector<16xi32> to vector<16xi32>
      %swap3A_53 = vector.shape_cast %select_n3A : vector<16xi32> to vector<16xi32>
      tpu.vector_store %arg24[%swap3A], %swap3A_53 {strides = array<i32>} : memref<80xi32, #tpu.memory_space<vmem>>, vector<16xi32>,
      %swap3A_54 = arith.index_cast %mul3A_12 : i32 to index
      %swap3A_55 = tpu.vector_load %arg25[%swap3A_54] {strides = array<i32>} : memref<80xi32, #tpu.memory_space<vmem>>, vector<16xi32>,
      %swap3A_56 = vector.shape_cast %swap3A_55 : vector<16xi32> to vector<16xi32>
      %swap3A_57 = vector.shape_cast %scan3A_46#1 : vector<16xi32> to vector<16xi32>
      tpu.vector_store %arg25[%swap3A_54], %swap3A_57 {strides = array<i32>} : memref<80xi32, #tpu.memory_space<vmem>>, vector<16xi32>,
    }
    %scan3A_9 = arith.constant 5 : i32
    "tpu.region"() ({
      %run_scoped3A = tpu.sem_alloc : memref<!tpu.dma_semaphore, #tpu.memory_space<semaphore_mem>>
      %dma_start3A = tpu.memref_slice %arg12[%mul3A_2] : memref<2560xi32, #tpu.memory_space<hbm>> -> memref<80xi32, #tpu.memory_space<hbm>>
      %dma_start3A_10 = tpu.memref_slice %arg12[%mul3A_2] : memref<2560xi32, #tpu.memory_space<hbm>> -> memref<80xi32, #tpu.memory_space<hbm>>
      tpu.enqueue_dma source(%arg24 : memref<80xi32, #tpu.memory_space<vmem>>) target(%dma_start3A_10 : memref<80xi32, #tpu.memory_space<hbm>>) target_semaphore(%run_scoped3A : memref<!tpu.dma_semaphore, #tpu.memory_space<semaphore_mem>>)
      %dma_wait3A = tpu.memref_slice %arg12[%mul3A_2] : memref<2560xi32, #tpu.memory_space<hbm>> -> memref<80xi32, #tpu.memory_space<hbm>>
      %dma_wait3A_11 = tpu.memref_slice %arg12[%mul3A_2] : memref<2560xi32, #tpu.memory_space<hbm>> -> memref<80xi32, #tpu.memory_space<hbm>>
      tpu.wait_dma2 semaphore(%run_scoped3A : memref<!tpu.dma_semaphore, #tpu.memory_space<semaphore_mem>>) src(%arg24 : memref<80xi32, #tpu.memory_space<vmem>>) dst(%dma_wait3A_11 : memref<80xi32, #tpu.memory_space<hbm>>)
      tpu.yield
    }) : () -> ()
    "tpu.region"() ({
      %run_scoped3A = tpu.sem_alloc : memref<!tpu.dma_semaphore, #tpu.memory_space<semaphore_mem>>
      %dma_start3A = tpu.memref_slice %arg13[%mul3A_2] : memref<2560xi32, #tpu.memory_space<hbm>> -> memref<80xi32, #tpu.memory_space<hbm>>
      %dma_start3A_10 = tpu.memref_slice %arg13[%mul3A_2] : memref<2560xi32, #tpu.memory_space<hbm>> -> memref<80xi32, #tpu.memory_space<hbm>>
      tpu.enqueue_dma source(%arg25 : memref<80xi32, #tpu.memory_space<vmem>>) target(%dma_start3A_10 : memref<80xi32, #tpu.memory_space<hbm>>) target_semaphore(%run_scoped3A : memref<!tpu.dma_semaphore, #tpu.memory_space<semaphore_mem>>)
      %dma_wait3A = tpu.memref_slice %arg13[%mul3A_2] : memref<2560xi32, #tpu.memory_space<hbm>> -> memref<80xi32, #tpu.memory_space<hbm>>
      %dma_wait3A_11 = tpu.memref_slice %arg13[%mul3A_2] : memref<2560xi32, #tpu.memory_space<hbm>> -> memref<80xi32, #tpu.memory_space<hbm>>
      tpu.wait_dma2 semaphore(%run_scoped3A : memref<!tpu.dma_semaphore, #tpu.memory_space<semaphore_mem>>) src(%arg25 : memref<80xi32, #tpu.memory_space<vmem>>) dst(%dma_wait3A_11 : memref<80xi32, #tpu.memory_space<hbm>>)
      tpu.yield
    }) : () -> ()
    return
  }
}

module attributes {stable_mosaic.version = 14 : i64} {
  func.func @_tc_block(%arg0: i32, %arg1: memref<200x4xf32, #tpu.memory_space<vmem>>, %arg2: memref<4x2560xf32, #tpu.memory_space<vmem>>, %arg3: memref<1x2560xf32, #tpu.memory_space<vmem>>, %arg4: memref<1x1xf32, #tpu.memory_space<vmem>>, %arg5: memref<1x2560xi32, #tpu.memory_space<vmem>>, %arg6: memref<1x2560xi8, #tpu.memory_space<vmem>>) attributes {dimension_semantics = [#tpu.dimension_semantics<parallel>], iteration_bounds = array<i64: 7>, scalar_prefetch = 0 : i64, scratch_operands = 0 : i64, tpu.core_type = #tpu.core_type<tc>, window_params = [{pipeline_mode = #tpu.pipeline_mode<synchronous>, transform_indices = @transform_0, window_bounds = array<i64: 200, 4>}, {transform_indices = @transform_1, window_bounds = array<i64: 4, 2560>}, {transform_indices = @transform_2, window_bounds = array<i64: 1, 2560>}, {pipeline_mode = #tpu.pipeline_mode<synchronous>, transform_indices = @transform_3, window_bounds = array<i64: 1, 1>}, {transform_indices = @transform_4, window_bounds = array<i64: 1, 2560>}, {transform_indices = @transform_5, window_bounds = array<i64: 1, 2560>}]} {
    %get3A = arith.constant 0 : index
    %get3A_0 = arith.constant 0 : index
    %get3A_1 = vector.load %arg1[%get3A, %get3A_0] : memref<200x4xf32, #tpu.memory_space<vmem>>, vector<200x4xf32>
    %slice3A = vector.extract_strided_slice %get3A_1 {offsets = [0, 0], sizes = [200, 1], strides = [1, 1]} : vector<200x4xf32> to vector<200x1xf32>
    %slice3A_2 = vector.extract_strided_slice %get3A_1 {offsets = [0, 1], sizes = [200, 1], strides = [1, 1]} : vector<200x4xf32> to vector<200x1xf32>
    %slice3A_3 = vector.extract_strided_slice %get3A_1 {offsets = [0, 2], sizes = [200, 1], strides = [1, 1]} : vector<200x4xf32> to vector<200x1xf32>
    %slice3A_4 = vector.extract_strided_slice %get3A_1 {offsets = [0, 3], sizes = [200, 1], strides = [1, 1]} : vector<200x4xf32> to vector<200x1xf32>
    %get3A_5 = arith.constant 0 : index
    %get3A_6 = arith.constant 0 : index
    %get3A_7 = vector.load %arg2[%get3A_5, %get3A_6] : memref<4x2560xf32, #tpu.memory_space<vmem>>, vector<4x2560xf32>
    %slice3A_8 = vector.extract_strided_slice %get3A_7 {offsets = [0, 0], sizes = [1, 2560], strides = [1, 1]} : vector<4x2560xf32> to vector<1x2560xf32>
    %slice3A_9 = vector.extract_strided_slice %get3A_7 {offsets = [1, 0], sizes = [1, 2560], strides = [1, 1]} : vector<4x2560xf32> to vector<1x2560xf32>
    %slice3A_10 = vector.extract_strided_slice %get3A_7 {offsets = [2, 0], sizes = [1, 2560], strides = [1, 1]} : vector<4x2560xf32> to vector<1x2560xf32>
    %slice3A_11 = vector.extract_strided_slice %get3A_7 {offsets = [3, 0], sizes = [1, 2560], strides = [1, 1]} : vector<4x2560xf32> to vector<1x2560xf32>
    %get3A_12 = arith.constant 0 : index
    %get3A_13 = arith.constant 0 : index
    %get3A_14 = vector.load %arg3[%get3A_12, %get3A_13] : memref<1x2560xf32, #tpu.memory_space<vmem>>, vector<1x2560xf32>
    %get3A_15 = arith.constant 0 : index
    %get3A_16 = arith.constant 0 : index
    %get3A_17 = vector.load %arg4[%get3A_15, %get3A_16] : memref<1x1xf32, #tpu.memory_space<vmem>>, vector<1x1xf32>
    %get3A_18 = vector.extract %get3A_17[0, 0] : f32 from vector<1x1xf32>
    %sub3A = arith.subf %slice3A_3, %slice3A : vector<200x1xf32>
    %sub3A_19 = arith.subf %slice3A_4, %slice3A_2 : vector<200x1xf32>
    %max3A = arith.maximumf %sub3A, %sub3A_19 : vector<200x1xf32>
    %mul3A = arith.constant 2.000000e+00 : f32
    %mul3A_20 = vector.broadcast %mul3A : f32 to vector<200x1xf32>
    %mul3A_21 = arith.mulf %max3A, %mul3A_20 : vector<200x1xf32>
    %lt3A = vector.broadcast %get3A_18 : f32 to vector<200x1xf32>
    %lt3A_22 = arith.cmpf olt, %mul3A_21, %lt3A : vector<200x1xf32>
    %broadcast_in_dim3A = vector.broadcast %get3A_18 : f32 to vector<200x1xf32>
    %select_n3A = arith.select %lt3A_22, %broadcast_in_dim3A, %mul3A_21 : vector<200x1xi1>, vector<200x1xf32>
    %add3A = arith.addf %slice3A, %slice3A_3 : vector<200x1xf32>
    %div3A = arith.constant 2.000000e+00 : f32
    %div3A_23 = vector.broadcast %div3A : f32 to vector<200x1xf32>
    %div3A_24 = arith.divf %add3A, %div3A_23 : vector<200x1xf32>
    %add3A_25 = arith.addf %slice3A_2, %slice3A_4 : vector<200x1xf32>
    %div3A_26 = arith.constant 2.000000e+00 : f32
    %div3A_27 = vector.broadcast %div3A_26 : f32 to vector<200x1xf32>
    %div3A_28 = arith.divf %add3A_25, %div3A_27 : vector<200x1xf32>
    %sub3A_29 = arith.subf %slice3A_10, %slice3A_8 : vector<1x2560xf32>
    %sub3A_30 = arith.subf %slice3A_11, %slice3A_9 : vector<1x2560xf32>
    %max3A_31 = arith.maximumf %sub3A_29, %sub3A_30 : vector<1x2560xf32>
    %sub3A_32 = arith.subf %max3A_31, %get3A_14 : vector<1x2560xf32>
    %add3A_33 = arith.addf %slice3A_8, %slice3A_10 : vector<1x2560xf32>
    %div3A_34 = arith.constant 2.000000e+00 : f32
    %div3A_35 = vector.broadcast %div3A_34 : f32 to vector<1x2560xf32>
    %div3A_36 = arith.divf %add3A_33, %div3A_35 : vector<1x2560xf32>
    %add3A_37 = arith.addf %slice3A_9, %slice3A_11 : vector<1x2560xf32>
    %div3A_38 = arith.constant 2.000000e+00 : f32
    %div3A_39 = vector.broadcast %div3A_38 : f32 to vector<1x2560xf32>
    %div3A_40 = arith.divf %add3A_37, %div3A_39 : vector<1x2560xf32>
    %mul3A_41 = arith.mulf %get3A_14, %get3A_14 : vector<1x2560xf32>
    %sub3A_42 = vector.broadcast %slice3A : vector<200x1xf32> to vector<200x2560xf32>
    %sub3A_43 = vector.broadcast %slice3A_8 : vector<1x2560xf32> to vector<200x2560xf32>
    %sub3A_44 = arith.subf %sub3A_42, %sub3A_43 : vector<200x2560xf32>
    %sub3A_45 = vector.broadcast %slice3A_2 : vector<200x1xf32> to vector<200x2560xf32>
    %sub3A_46 = vector.broadcast %slice3A_9 : vector<1x2560xf32> to vector<200x2560xf32>
    %sub3A_47 = arith.subf %sub3A_45, %sub3A_46 : vector<200x2560xf32>
    %min3A = arith.minimumf %sub3A_44, %sub3A_47 : vector<200x2560xf32>
    %sub3A_48 = vector.broadcast %slice3A_10 : vector<1x2560xf32> to vector<200x2560xf32>
    %sub3A_49 = vector.broadcast %slice3A_3 : vector<200x1xf32> to vector<200x2560xf32>
    %sub3A_50 = arith.subf %sub3A_48, %sub3A_49 : vector<200x2560xf32>
    %min3A_51 = arith.minimumf %min3A, %sub3A_50 : vector<200x2560xf32>
    %sub3A_52 = vector.broadcast %slice3A_11 : vector<1x2560xf32> to vector<200x2560xf32>
    %sub3A_53 = vector.broadcast %slice3A_4 : vector<200x1xf32> to vector<200x2560xf32>
    %sub3A_54 = arith.subf %sub3A_52, %sub3A_53 : vector<200x2560xf32>
    %min3A_55 = arith.minimumf %min3A_51, %sub3A_54 : vector<200x2560xf32>
    %sub3A_56 = vector.broadcast %select_n3A : vector<200x1xf32> to vector<200x2560xf32>
    %sub3A_57 = vector.broadcast %sub3A_32 : vector<1x2560xf32> to vector<200x2560xf32>
    %sub3A_58 = arith.subf %sub3A_56, %sub3A_57 : vector<200x2560xf32>
    %min3A_59 = arith.minimumf %min3A_55, %sub3A_58 : vector<200x2560xf32>
    %sub3A_60 = vector.broadcast %div3A_24 : vector<200x1xf32> to vector<200x2560xf32>
    %sub3A_61 = vector.broadcast %div3A_36 : vector<1x2560xf32> to vector<200x2560xf32>
    %sub3A_62 = arith.subf %sub3A_60, %sub3A_61 : vector<200x2560xf32>
    %sub3A_63 = vector.broadcast %div3A_28 : vector<200x1xf32> to vector<200x2560xf32>
    %sub3A_64 = vector.broadcast %div3A_40 : vector<1x2560xf32> to vector<200x2560xf32>
    %sub3A_65 = arith.subf %sub3A_63, %sub3A_64 : vector<200x2560xf32>
    %mul3A_66 = arith.mulf %sub3A_62, %sub3A_62 : vector<200x2560xf32>
    %mul3A_67 = arith.mulf %sub3A_65, %sub3A_65 : vector<200x2560xf32>
    %add3A_68 = arith.addf %mul3A_66, %mul3A_67 : vector<200x2560xf32>
    %sub3A_69 = vector.broadcast %mul3A_41 : vector<1x2560xf32> to vector<200x2560xf32>
    %sub3A_70 = arith.subf %sub3A_69, %add3A_68 : vector<200x2560xf32>
    %min3A_71 = arith.minimumf %min3A_59, %sub3A_70 : vector<200x2560xf32>
    %ge3A = arith.constant 0.000000e+00 : f32
    %ge3A_72 = vector.broadcast %ge3A : f32 to vector<200x2560xf32>
    %ge3A_73 = arith.cmpf oge, %min3A_71, %ge3A_72 : vector<200x2560xf32>
    %iota3A = tpu.iota {dimensions = array<i32: 0>} : vector<200x2560xi32>
    %jit3A = arith.constant 200 : i32
    %broadcast_in_dim3A_74 = vector.broadcast %jit3A : i32 to vector<200x2560xi32>
    %select_n3A_75 = arith.select %ge3A_73, %iota3A, %broadcast_in_dim3A_74 : vector<200x2560xi1>, vector<200x2560xi32>
    %reduce_min3A = arith.constant dense<2147483647> : vector<2560xi32>
    %reduce_min3A_76 = vector.multi_reduction <minsi>, %select_n3A_75, %reduce_min3A [0] : vector<200x2560xi32> to vector<2560xi32>
    %broadcast_in_dim3A_77 = vector.shape_cast %reduce_min3A_76 : vector<2560xi32> to vector<1x2560xi32>
    %jit3A_78 = arith.constant 1 : i32
    %jit3A_79 = arith.constant 0 : i32
    %broadcast_in_dim3A_80 = vector.broadcast %jit3A_78 : i32 to vector<200x2560xi32>
    %broadcast_in_dim3A_81 = vector.broadcast %jit3A_79 : i32 to vector<200x2560xi32>
    %select_n3A_82 = arith.select %ge3A_73, %broadcast_in_dim3A_80, %broadcast_in_dim3A_81 : vector<200x2560xi1>, vector<200x2560xi32>
    %reduce_sum3A = arith.constant dense<0> : vector<2560xi32>
    %reduce_sum3A_83 = vector.multi_reduction <add>, %select_n3A_82, %reduce_sum3A [0] : vector<200x2560xi32> to vector<2560xi32>
    %broadcast_in_dim3A_84 = vector.shape_cast %reduce_sum3A_83 : vector<2560xi32> to vector<1x2560xi32>
    %eq3A = arith.constant 200 : i32
    %eq3A_85 = vector.broadcast %eq3A : i32 to vector<1x2560xi32>
    %eq3A_86 = arith.cmpi eq, %broadcast_in_dim3A_77, %eq3A_85 : vector<1x2560xi32>
    %jit3A_87 = arith.constant 0 : i32
    %broadcast_in_dim3A_88 = vector.broadcast %jit3A_87 : i32 to vector<1x2560xi32>
    %select_n3A_89 = arith.select %eq3A_86, %broadcast_in_dim3A_88, %broadcast_in_dim3A_77 : vector<1x2560xi1>, vector<1x2560xi32>
    %swap3A = arith.constant 0 : index
    %swap3A_90 = arith.constant 0 : index
    %swap3A_91 = vector.load %arg5[%swap3A, %swap3A_90] : memref<1x2560xi32, #tpu.memory_space<vmem>>, vector<1x2560xi32>
    tpu.vector_store %arg5[%swap3A, %swap3A_90], %select_n3A_89 {strides = array<i32>} : memref<1x2560xi32, #tpu.memory_space<vmem>>, vector<1x2560xi32>,
    %eq3A_92 = arith.constant 1 : i32
    %eq3A_93 = vector.broadcast %eq3A_92 : i32 to vector<1x2560xi32>
    %eq3A_94 = arith.cmpi eq, %broadcast_in_dim3A_84, %eq3A_93 : vector<1x2560xi32>
    %convert_element_type3A = arith.extui %eq3A_94 : vector<1x2560xi1> to vector<1x2560xi8>
    %swap3A_95 = arith.constant 0 : index
    %swap3A_96 = arith.constant 0 : index
    %swap3A_97 = vector.load %arg6[%swap3A_95, %swap3A_96] : memref<1x2560xi8, #tpu.memory_space<vmem>>, vector<1x2560xi8>
    tpu.vector_store %arg6[%swap3A_95, %swap3A_96], %convert_element_type3A {strides = array<i32>} : memref<1x2560xi8, #tpu.memory_space<vmem>>, vector<1x2560xi8>,
    return
  }
  func.func @transform_0(%arg0: i32) -> (i32, i32) {
    %c0_i32 = arith.constant 0 : i32
    %c0_i32_0 = arith.constant 0 : i32
    %c0_i32_1 = arith.constant 0 : i32
    return %c0_i32, %c0_i32_0 : i32, i32
  }
  func.func @transform_1(%arg0: i32) -> (i32, i32) {
    %c0_i32 = arith.constant 0 : i32
    %c0_i32_0 = arith.constant 0 : i32
    return %c0_i32, %arg0 : i32, i32
  }
  func.func @transform_2(%arg0: i32) -> (i32, i32) {
    %c0_i32 = arith.constant 0 : i32
    %c0_i32_0 = arith.constant 0 : i32
    return %c0_i32, %arg0 : i32, i32
  }
  func.func @transform_3(%arg0: i32) -> (i32, i32) {
    %c0_i32 = arith.constant 0 : i32
    %c0_i32_0 = arith.constant 0 : i32
    %c0_i32_1 = arith.constant 0 : i32
    return %c0_i32, %c0_i32_0 : i32, i32
  }
  func.func @transform_4(%arg0: i32) -> (i32, i32) {
    %c0_i32 = arith.constant 0 : i32
    %c0_i32_0 = arith.constant 0 : i32
    return %c0_i32, %arg0 : i32, i32
  }
  func.func @transform_5(%arg0: i32) -> (i32, i32) {
    %c0_i32 = arith.constant 0 : i32
    %c0_i32_0 = arith.constant 0 : i32
    return %c0_i32, %arg0 : i32, i32
  }
}

</mosaic_0001>

<sc_bundles>
// kernel: kernel.5.cloned.1.call-start
scs
__scs_entry_jumppad:
0x0: {  	(pc) =	sbr.rel $0x88, $3  }
0x1: {  	(tag) =	ssettag $0x0;
	lr =	simm.s32 $0x1  }
0x2: {  	[smem:$0x3F9D] =	sst lr;
	_ =	strace $0xD0000000  }
0x3: {  	_ = 	snop  }
0x4: {  	_ = 	snop  }
0x5: {  	_ = 	snop  }
0x6: {  	_ = 	snop  }
0x7: {  	_ = 	snop  }
__scs_overlays_trampoline_lowered:
0x8: {  	[smem:$0x3FAC] =	sst s0  }
0x9: {  	[smem:$0x3FAD] =	sst s1  }
0xa: {  	[smem:$0x3FAE] =	sst s2  }
0xb: {  	[smem:$0x3FAF] =	sst s3  }
0xc: {  	[smem:$0x3FB0] =	sst s4  }
0xd: {  	[smem:$0x3FB1] =	sst s5  }
0xe: {  	[smem:$0x3FB2] =	sst s6  }
0xf: {  	[smem:$0x3FB3] =	sst s7  }
0x10: {  	[smem:$0x3FB4] =	sst s8  }
0x11: {  	[smem:$0x3FB5] =	sst s9;
	s0 =	simm.s32 @!p0 $0x0  }
0x12: {  	s1 =	sld [smem:$0x3F9B];
	s0 =	simm.s32 @p0 $0x1  }
0x13: {  	[smem:$0x3FB6] =	sst s0;
	s0 =	simm.s32 @!p1 $0x0  }
0x14: {  	s2 =	sld [smem:$0x3F9A];
	s0 =	simm.s32 @p1 $0x1  }
0x15: {  	[smem:$0x3FB7] =	sst s0;
	s0 =	simm.s32 @!p2 $0x0  }
0x16: {  	s3 =	sld [smem:$0x3FDB];
	s0 =	simm.s32 @p2 $0x1  }
0x17: {  	s4 =	simm.s32 $0x1BF5;
	[smem:$0x3FB9] =	sst s0  }
0x18: {  	s0 =	sld [smem:$0x3F9C];
	_ =	swait.ge [sflag:s4], $0x0  }
0x19: {  	s7 =	sld [smem:$0x3F9D]  }
0x1a: {  	s8 =	sadd.s32 $0xFFFFE003, lr  }
0x1b: {  	s9 =	sadd.s32 $0xFFFFFEF7, lr;
	s5 =	simm.s32 $0xFFFFFFFF;
	p2 =	slt.u32 s8, $0xFFFFF086  }
0x1c: {  	p1 =	slt.u32 s9, $0xF7A;
	s5 =	simm.s32 @!p2 $0x0  }
0x1d: {  	s5 =	simm.s32 @p1 $0x1;
	p0 =	seq.s32 s7, s2  }
0x1e: {  	s7 =	smul.u32 @!p0 $0xF7A, s2;
	p2 =	seq.s32 @!p0 s5, $0x0  }
0x1f: {  	s9 =	smul.u32 $0xF7A, s1;
	s8 =	simm.s32 @!p0 $0x1BF5;
	p2 =	por !p2, p0  }
0x20: {  	[sflag:s8] =	ssyncset.s32 @!p0 $0xFFFFF086;
	s6 =	sadd.s32 @!p0 s3, s7;
	s7 =	simm.s32 @!p0 $0x108  }
0x21: {  	s3 =	sadd.s32 s3, s9;
	s6 =	sadd.s32 @!p0 $0x88, s6;
	s7 =	simm.s32 @p2 $0x1082  }
0x22: {  	[simem:s7], [sflag:s8] =	dma.local @!p0 [hbm:s6], $0xF7A  }
0x23: {  	s9 =	sor.u32 $0xD0000000, s2;
	s6 =	simm.s32 $0x108;
	_ =	swait.ge @!p0 [sflag:s8], $0x0  }
0x24: {  	s3 =	sadd.s32 $0x88, s3;
	s6 =	simm.s32 @!p1 $0x1082;
	[sflag:s4] =	ssyncset.s32 $0xFFFFF086  }
0x25: {  	[simem:s6], [sflag:s4] =	dma.local [hbm:s3], $0xF7A  }
0x26: {  	[smem:$0x3F9D] =	sst s1;
	(tag) =	ssettag s2;
	_ =	strace s9  }
0x27: {  	s1 =	sld [smem:$0x3FAD]  }
0x28: {  	s2 =	sld [smem:$0x3FAE]  }
0x29: {  	s4 =	sld [smem:$0x3FB0]  }
0x2a: {  	p0 =	seq.s32 s5, $0x0;
	s5 =	sld [smem:$0x3FB1]  }
0x2b: {  	s6 =	sld [smem:$0x3FB2]  }
0x2c: {  	s7 =	sld [smem:$0x3FB3]  }
0x2d: {  	s3 =	simm.s32 $0x108;
	s8 =	sld [smem:$0x3FB4]  }
0x2e: {  	s3 =	simm.s32 @!p0 $0x1082;
	s9 =	sld [smem:$0x3FB5]  }
0x2f: {  	lr =	sadd.s32 s0, s3;
	s0 =	sld [smem:$0x3FAC]  }
0x30: {  	s3 =	sld [smem:$0x3FAF]  }
0x31: {  	[smem:$0x3FB8] =	sst s10  }
0x32: {  	s10 =	sld [smem:$0x3FB6];
	_ =	sdelay $0x3  }
0x33: {  	p0 =	seq.s32 s10, $0x1;
	s10 =	sld [smem:$0x3FB8];
	_ =	sdelay $0x3  }
0x34: {  	[smem:$0x3FB8] =	sst s10  }
0x35: {  	s10 =	sld [smem:$0x3FB7];
	_ =	sdelay $0x3  }
0x36: {  	p1 =	seq.s32 s10, $0x1;
	s10 =	sld [smem:$0x3FB8];
	_ =	sdelay $0x3  }
0x37: {  	[smem:$0x3FB8] =	sst s10  }
0x38: {  	s10 =	sld [smem:$0x3FB9]  }
0x39: {  	_ = 	snop;
	(pc) =	sbr.ind lr, $3  }
0x3a: {  	_ = 	snop  }
0x3b: {  	_ = 	snop  }
0x3c: {  	p2 =	seq.s32 s10, $0x1;
	s10 =	sld [smem:$0x3FB8]  }
0x3d: {  	_ =	shalt  }
0x3e: {  	_ =	shalt  }
0x3f: {  	_ =	shalt  }
0x40: {  	_ =	shalt  }
0x41: {  	_ =	shalt  }
0x42: {  	_ =	shalt  }
0x43: {  	_ =	shalt  }
0x44: {  	_ =	shalt  }
0x45: {  	_ =	shalt  }
0x46: {  	_ =	shalt  }
0x47: {  	_ =	shalt  }
0x48: {  	_ =	shalt  }
0x49: {  	_ =	shalt  }
0x4a: {  	_ =	shalt  }
0x4b: {  	_ =	shalt  }
0x4c: {  	_ =	shalt  }
0x4d: {  	_ =	shalt  }
0x4e: {  	_ =	shalt  }
0x4f: {  	_ =	shalt  }
0x50: {  	_ =	shalt  }
0x51: {  	_ =	shalt  }
0x52: {  	_ =	shalt  }
0x53: {  	_ =	shalt  }
0x54: {  	_ =	shalt  }
0x55: {  	_ =	shalt  }
0x56: {  	_ =	shalt  }
0x57: {  	_ =	shalt  }
0x58: {  	_ =	shalt  }
0x59: {  	_ =	shalt  }
0x5a: {  	_ =	shalt  }
0x5b: {  	_ =	shalt  }
0x5c: {  	_ =	shalt  }
0x5d: {  	_ =	shalt  }
0x5e: {  	_ =	shalt  }
0x5f: {  	_ =	shalt  }
0x60: {  	_ =	shalt  }
0x61: {  	_ =	shalt  }
0x62: {  	_ =	shalt  }
0x63: {  	_ =	shalt  }
0x64: {  	_ =	shalt  }
0x65: {  	_ =	shalt  }
0x66: {  	_ =	shalt  }
0x67: {  	_ =	shalt  }
0x68: {  	_ =	shalt  }
0x69: {  	_ =	shalt  }
0x6a: {  	_ =	shalt  }
0x6b: {  	_ =	shalt  }
0x6c: {  	_ =	shalt  }
0x6d: {  	_ =	shalt  }
0x6e: {  	_ =	shalt  }
0x6f: {  	_ =	shalt  }
0x70: {  	_ =	shalt  }
0x71: {  	_ =	shalt  }
0x72: {  	_ =	shalt  }
0x73: {  	_ =	shalt  }
0x74: {  	_ =	shalt  }
0x75: {  	_ =	shalt  }
0x76: {  	_ =	shalt  }
0x77: {  	_ =	shalt  }
0x78: {  	_ =	shalt  }
0x79: {  	_ =	shalt  }
0x7a: {  	_ =	shalt  }
0x7b: {  	_ =	shalt  }
0x7c: {  	_ =	shalt  }
0x7d: {  	_ =	shalt  }
0x7e: {  	_ =	shalt  }
0x7f: {  	_ =	shalt  }
0x80: {  	_ =	shalt  }
0x81: {  	_ =	shalt  }
0x82: {  	_ =	shalt  }
0x83: {  	_ =	shalt  }
0x84: {  	_ =	shalt  }
0x85: {  	_ =	shalt  }
0x86: {  	_ =	shalt  }
0x87: {  	_ =	shalt  }
.Lfunc_end0:
.L_simem_size_0:
called_computation_lowered:
.L_overlay_start_0:
0x88: {  	s2 =	sld [smem:$0x3FD9]  }
0x89: {  	s3 =	sld [smem:$0x3FFE];
	_ =	sdelay $0x1  }
0x8a: {  	s1 =	srdreg.scid  }
0x8b: {  	s0 =	sand.u32 $0x1, s1  }
0x8c: {  	s14 =	sshll.u32 s0, $0xA;
	s2 =	sadd.s32 s3, s2  }
0x8d: {  	s2 =	sadd.s32 s2, s14  }
0x8e: {  	[smem:$0x3FC4] =	sst s2  }
0x8f: {  	_ = 	snop  }
0x90: {  	s2 =	sld [smem:$0x3FD0];
	_ =	sdelay $0x2  }
0x91: {  	s15 =	simm.s32 $0xA;
	s4 =	simm.s32 $0x10  }
0x92: {  	[smem:s4], [sflag:s15] =	dma.local [hbm:s2], $0x1  }
0x93: {  	_ =	swait.eq [sflag:s15], $0x1  }
0x94: {  	[sflag:s15] =	ssyncset.done $0x0  }
0x95: {  	s16 =	sld [smem:$0x10];
	[sflag:s15] =	ssyncadd.s32 $0xFFFFFFFF  }
0x96: {  	s17 =	sld [smem:$0x11];
	(tm) =	ssettm $0x1  }
0x97: {  	s18 =	sld [smem:$0x3FFB];
	_ =	sdelay $0x3  }
0x98: {  	_ =	strace s18  }
0x99: {  	s4 =	sld [smem:$0x3FFC];
	_ =	sdelay $0x3  }
0x9a: {  	_ =	strace s4  }
0x9b: {  	s4 =	sld [smem:$0x3FFD];
	_ =	sdelay $0x3  }
0x9c: {  	_ =	strace s4  }
0x9d: {  	_ =	strace $0x8FFFFFFF  }
0x9e: {  	s19 =	sld [smem:$0x3FDB];
	_ =	sdelay $0x1  }
0x9f: {  	s5 =	simm.s32 $_scs_section_size  }
0xa0: {  	s6 =	simm.s32 $_size__tile_overlayer_lowered;
	s7 =	simm.s32 $_tile_overlayer_lowered  }
0xa1: {  	s22 =	simm.s32 $0x1BFF;
	s21 =	sshll.u32 s7, $0x1;
	s4 =	sadd.s32 s5, s19  }
0xa2: {  	s8 =	simm.s32 $0x0;
	s20 =	sshll.u32 s6, $0x1;
	s6 =	sadd.s32 s21, s4  }
0xa3: {  	[timem:s8], [sflag:s22] =	dma.local [hbm:s6], s20  }
0xa4: {  	_ =	swait.ge [sflag:s22], s20  }
0xa5: {  	s5 =	ssub.s32 $0x0, s20;
	[sflag:s22] =	ssyncset.done $0x0  }
0xa6: {  	[sflag:s22] =	ssyncadd.s32 s5;
	_ =	sdelay $0x1  }
0xa7: {  	s23 =	simm.s32 $0x1B8B  }
0xa8: {  	_ =	swait.ge [sflag:s23], $0x1  }
0xa9: {  	[sflag:s23] =	ssyncset.done $0x0  }
0xaa: {  	s25 =	simm.s32 $0x1B8E;
	s24 =	sld [smem:$0x3FFE];
	[sflag:s23] =	ssyncadd.s32 $0xFFFFFFFF  }
0xab: {  	s26 =	simm.s32 $execute0_lowered;
	[smem:$0x3FD2] =	sst s25  }
0xac: {  	s6 =	sshll.u32 s26, $0x1;
	_ =	strace $0x80000046;
	[dreg:$0x1] =	wrdreg $0xFFFFFFFF  }
0xad: {  	s28 =	simm.s32 $_size_execute0_lowered;
	s4 =	sadd.s32 s4, s6;
	[dreg:$0x0] =	wrdreg $0x0  }
0xae: {  	s6 =	sshll.u32 s28, $0x1;
	[dreg:$0x2] =	wrdreg s4  }
0xaf: {  	[dreg:$0x3] =	wrdreg s6  }
0xb0: {  	[dreg:$0x4] =	wrdreg $0xC0  }
0xb1: {  	_ =	task [dreg:s8], $0x5FFFF  }
0xb2: {  	[dreg:$0x1] =	wrdreg $0xFFFFFFFF  }
0xb3: {  	[dreg:$0x0] =	wrdreg $0x60  }
0xb4: {  	[dreg:$0x2] =	wrdreg s24  }
0xb5: {  	[dreg:$0x3] =	wrdreg s16  }
0xb6: {  	[dreg:$0x4] =	wrdreg s17  }
0xb7: {  	[dreg:$0x5] =	wrdreg $0x9  }
0xb8: {  	_ =	task.clear_ibuf [dreg:s8], $0x6FFFF;
	_ =	strace $0x90000046  }
0xb9: {  	s29 =	simm.s32 $0x9;
	_ =	strace $0x80000048  }
0xba: {  	_ =	swait.ge [sflag:s29], $0x1  }
0xbb: {  	[sflag:s29] =	ssyncadd.s32 $0xFFFFFFFF  }
0xbc: {  	_ =	strace $0x90000048  }
0xbd: {  	_ =	sfence  }
0xbe: {  	s30 =	sld [smem:$0x0];
	_ =	sdelay $0x2  }
0xbf: {  	s31 =	sshll.u32 s1, $0xD;
	s1 =	sshrl.u32 s1, $0x2  }
0xc0: {  	s3 =	sand.u32 $0x4000, s31;
	s1 =	sadd.s32 s1, s30  }
0xc1: {  	s0 =	sor.u32 s3, s0;
	s1 =	sshll.u32 s1, $0x11  }
0xc2: {  	s0 =	sor.u32 s1, s0  }
0xc3: {  	s0 =	sadd.s32 $0x8F2B, s0  }
0xc4: {  	[sflag:s0] =	ssyncadd.remote.s32 $0x1  }
0xc5: {  	_ =	sfence.sel $0xFFFF  }
0xc6: {  	[dreg:$0x0] =	wrdreg $0xFFFFFFFF;
	(pc) =	sbr.abs _section_cstart, $3  }
0xc7: {  	[dreg:$0x1] =	wrdreg $0xFFFFFFFF  }
0xc8: {  	_ =	task.clear_ibuf [dreg:s8], $0x2FFFF;
	_ =	strace $0x9FFFFFFF  }
0xc9: {  	(tm) =	ssettm $0x7FFFFFFF  }
tec
execute0_lowered:
.L_overlay_start_1:
0x0: {  	(tag) =	ssettag $0x1  }
0x1: {  	s0 =	rddreg [dreg:$0x0]  }
0x2: {  	s1 =	rddreg [dreg:$0x1]  }
0x3: {  	s11 =	rddreg [dreg:$0x2];
	s2 =	simm.s32 $0x0  }
0x4: {  	s3 =	srdreg.scid;
	s4 =	stileid.u32;
	s16 =	simm.s32 $0x1  }
0x5: {  	s29 =	simm.s32 $0x0;
	[smem:$0x7FF] =	sst s2;
	s5 =	sand.u32 $0x1, s3  }
0x6: {  	s4 =	sshll.u32 s4, $0x1;
	s3 =	sadd.s32 $0x600, s0;
	s7 =	sadd.s32 $0x1000, s0  }
0x7: {  	_ =	strace $0x80000047;
	s6 =	sor.u32 s5, s4;
	s8 =	ssub.s32 $0x2, s5  }
0x8: {  	s4 =	sadd.s32 $0x400, s0;
	s12 =	smul.u32 $0xA, s6;
	s9 =	sshrl.u32 s8, $0x1  }
0x9: {  	s5 =	sadd.s32 $0xE00, s0;
	s6 =	sadd.s32 $0x200, s0;
	s15 =	ssub.s32 s8, s9  }
0xa: {  	s0 =	sadd.s32 s12, s0;
	s10 =	sadd.s32 s1, s12;
	s11 =	sadd.s32 s11, s12  }
0xb: {  	s15 =	smax.u32 s15, $0x1;
	s8 =	sadd.s32 $0xC00, s0;
	s9 =	sadd.s32 $0xA00, s0  }
0xc: {  	v0 =	vimm.s32 $0x0;
	s12 =	sadd.s32 $0x800, s0;
	s13 =	sadd.s32 $0x1400, s0;
	s14 =	sadd.s32 $0x1200, s0  }
.LBB2_1:
0xd: {  	[tilespmem:s2], [sflag:$0x1] =	stream.linear.gather [hbm4b:s3+s2], $0x100, $0x38;
	[tilespmem:$0x800] =	vst v63  }
0xe: {  	_ =	swait.ge [sflag:s16], $0x100  }
0xf: {  	[sflag:s16] =	ssyncset.done $0x0  }
0x10: {  	s0 =	simm.s32 $0x100;
	[sflag:s16] =	ssyncadd.s32 $0xFFFFFF00  }
0x11: {  	[tilespmem:s0], [sflag:$0x1] =	stream.linear.gather [hbm4b:s4+s2], $0x100, $0x38;
	[tilespmem:$0x800] =	vst v63  }
0x12: {  	_ =	swait.ge [sflag:s16], $0x100  }
0x13: {  	[sflag:s16] =	ssyncset.done $0x0  }
0x14: {  	s20 =	simm.s32 $0x200;
	[sflag:s16] =	ssyncadd.s32 $0xFFFFFF00  }
0x15: {  	[tilespmem:s20], [sflag:$0x1] =	stream.linear.gather [hbm4b:s5+s2], $0x100, $0x38;
	[tilespmem:$0x800] =	vst v63  }
0x16: {  	_ =	swait.ge [sflag:s16], $0x100  }
0x17: {  	[sflag:s16] =	ssyncset.done $0x0  }
0x18: {  	s21 =	simm.s32 $0x300;
	[sflag:s16] =	ssyncadd.s32 $0xFFFFFF00  }
0x19: {  	[tilespmem:s21], [sflag:$0x1] =	stream.linear.gather [hbm4b:s6+s2], $0x100, $0x38;
	[tilespmem:$0x800] =	vst v63  }
0x1a: {  	_ =	swait.ge [sflag:s16], $0x100  }
0x1b: {  	[sflag:s16] =	ssyncset.done $0x0  }
0x1c: {  	s22 =	simm.s32 $0x400;
	[sflag:s16] =	ssyncadd.s32 $0xFFFFFF00  }
0x1d: {  	[tilespmem:s22], [sflag:$0x1] =	stream.linear.gather [hbm4b:s7+s2], $0x80, $0x38;
	[tilespmem:$0x800] =	vst v63  }
0x1e: {  	_ =	swait.ge [sflag:s16], $0x80  }
0x1f: {  	[sflag:s16] =	ssyncset.done $0x0  }
0x20: {  	s23 =	simm.s32 $0x480;
	[sflag:s16] =	ssyncadd.s32 $0xFFFFFF80  }
0x21: {  	[tilespmem:s23], [sflag:$0x1] =	stream.linear.gather [hbm4b:s8+s2], $0x50, $0x38;
	[tilespmem:$0x800] =	vst v63  }
0x22: {  	_ =	swait.ge [sflag:s16], $0x50  }
0x23: {  	[sflag:s16] =	ssyncset.done $0x0  }
0x24: {  	s24 =	simm.s32 $0x500;
	[sflag:s16] =	ssyncadd.s32 $0xFFFFFFB0  }
0x25: {  	[tilespmem:s24], [sflag:$0x1] =	stream.linear.gather [hbm4b:s9+s2], $0x50, $0x38;
	[tilespmem:$0x800] =	vst v63  }
0x26: {  	_ =	swait.ge [sflag:s16], $0x50  }
0x27: {  	[sflag:s16] =	ssyncset.done $0x0  }
0x28: {  	s25 =	simm.s32 $0x580;
	[sflag:s16] =	ssyncadd.s32 $0xFFFFFFB0  }
0x29: {  	[tilespmem:s25], [sflag:$0x1] =	stream.linear.gather [hbm4b:s10+s2], $0x50, $0x38;
	[tilespmem:$0x800] =	vst v63  }
0x2a: {  	_ =	swait.ge [sflag:s16], $0x50  }
0x2b: {  	[sflag:s16] =	ssyncset.done $0x0  }
0x2c: {  	s26 =	simm.s32 $0x600;
	[sflag:s16] =	ssyncadd.s32 $0xFFFFFFB0  }
0x2d: {  	[tilespmem:s26], [sflag:$0x1] =	stream.linear.gather [hbm4b:s11+s2], $0x50, $0x38;
	[tilespmem:$0x800] =	vst v63  }
0x2e: {  	_ =	swait.ge [sflag:s16], $0x50  }
0x2f: {  	[sflag:s16] =	ssyncset.done $0x0  }
0x30: {  	s28 =	simm.s32 $0x680;
	[sflag:s16] =	ssyncadd.s32 $0xFFFFFFB0  }
0x31: {  	[tilespmem:s28], [sflag:$0x1] =	stream.linear.gather [hbm4b:s12+s2], $0x50, $0x38;
	[tilespmem:$0x800] =	vst v63  }
0x32: {  	_ =	swait.ge [sflag:s16], $0x50  }
0x33: {  	[sflag:s16] =	ssyncset.done $0x0  }
0x34: {  	[sflag:s16] =	ssyncadd.s32 $0xFFFFFFB0  }
0x35: {  	v1 =	vld [tilespmem:$0x400];
	_ =	sdelay $0x4  }
0x36: {  	(v2sf) =	vpush v1, $0x0;
	_ =	sdelay $0xe  }
0x37: {  	s31 =	simm.s32 $0x0;
	s30 =	spop (v2sf)  }
.LBB2_2:
0x38: {  	s0 =	sshll.u32 s31, $0x4  }
0x39: {  	v1 =	vld [tilespmem:s0+$0x480]  }
0x3a: {  	v2 =	vld [tilespmem:s0+$0x500]  }
0x3b: {  	v3 =	vld [tilespmem:s0+$0x580]  }
0x3c: {  	v4 =	vld [tilespmem:s0+$0x600];
	_ =	sdelay $0x2  }
0x3d: {  	v8 =	vld [tilespmem:s0+$0x680]  }
0x3e: {  	v5 =	vsub.f32 v3, v1  }
0x3f: {  	v6 =	vsub.f32 v4, v2;
	v7 =	vadd.f32 v3, v1  }
0x40: {  	v14 =	vimm.s32 $0xD0;
	v9 =	vadd.f32 v4, v2  }
0x41: {  	s1 =	simm.s32 $0xF;
	s17 =	simm.s32 $0x0;
	v13 =	vimm.s32 $0x0;
	v5 =	vmax.f32 v5, v6;
	v6 =	vmul.f32 $5.000000000e-01, v7  }
0x42: {  	s18 =	simm.s32 $0x100;
	s19 =	simm.s32 $0x200;
	s20 =	simm.s32 $0x300;
	v7 =	vmul.f32 $5.000000000e-01, v9;
	v5 =	vsub.f32 v5, v8;
	v8 =	vmul.f32 v8, v8  }
.LBB2_3:
0x43: {  	v12 =	vld [tilespmem:s17+$0x0]  }
0x44: {  	v11 =	vld [tilespmem:s18+$0x0]  }
0x45: {  	v9 =	vld [tilespmem:s19+$0x0];
	_ =	sdelay $0x1  }
0x46: {  	v10 =	vld [tilespmem:s20+$0x0]  }
0x47: {  	(v2sf) =	vpush v12, $0x0  }
0x48: {  	(v2sf) =	vpush v11, $0x0  }
0x49: {  	(v2sf) =	vpush v9, $0x0;
	_ =	sdelay $0x1  }
0x4a: {  	(v2sf) =	vpush v10, $0x0;
	_ =	sdelay $0x2  }
0x4b: {  	(v2sf) =	vpush v12, $0x1  }
0x4c: {  	(v2sf) =	vpush v11, $0x1  }
0x4d: {  	(v2sf) =	vpush v9, $0x1;
	_ =	sdelay $0x1  }
0x4e: {  	(v2sf) =	vpush v10, $0x1  }
0x4f: {  	v15 =	vbroadcast v12, $0x0;
	v18 =	vbroadcast v11, $0x0  }
0x50: {  	v19 =	vbroadcast v9, $0x0;
	v20 =	vbroadcast v10, $0x0  }
0x51: {  	v60 =	vbroadcast v12, $0x1;
	v24 =	vbroadcast v11, $0x1  }
0x52: {  	v21 =	vbroadcast v9, $0x1;
	v22 =	vbroadcast v10, $0x1;
	s21 =	spop (v2sf)  }
0x53: {  	v30 =	vbroadcast v12, $0x2;
	v32 =	vbroadcast v11, $0x2;
	s22 =	spop (v2sf)  }
0x54: {  	v34 =	vbroadcast v9, $0x2;
	v35 =	vbroadcast v10, $0x2;
	s23 =	spop (v2sf)  }
0x55: {  	v41 =	vbroadcast v12, $0x3;
	v42 =	vbroadcast v11, $0x3;
	(v2sf) =	vpush v12, $0x2;
	s25 =	sadd.f32 s23, s21  }
0x56: {  	v45 =	vbroadcast v9, $0x3;
	v15 =	vsub.f32 v15, v1;
	(v2sf) =	vpush v11, $0x2;
	s24 =	spop (v2sf);
	s21 =	ssub.f32 s23, s21  }
0x57: {  	v46 =	vbroadcast v10, $0x3;
	v18 =	vsub.f32 v18, v2;
	(v2sf) =	vpush v9, $0x2;
	s26 =	sadd.f32 s24, s22  }
0x58: {  	v50 =	vbroadcast v12, $0x4;
	v19 =	vsub.f32 v3, v19;
	v59 =	vsub.f32 v4, v20;
	s22 =	ssub.f32 s24, s22;
	s25 =	smul.f32 $5.000000000e-01, s25  }
0x59: {  	v51 =	vbroadcast v11, $0x4;
	v62 =	vsub.f32 v60, v1;
	(v2sf) =	vpush v10, $0x2;
	s23 =	spop (v2sf);
	s26 =	smul.f32 $5.000000000e-01, s26  }
0x5a: {  	v52 =	vbroadcast v9, $0x4;
	v26 =	vsub.f32 v3, v21;
	v27 =	vsub.f32 v4, v22;
	s21 =	smax.f32 s21, s22;
	s22 =	spop (v2sf)  }
0x5b: {  	v53 =	vbroadcast v10, $0x4;
	v36 =	vsub.f32 v4, v35;
	v47 =	vsub.f32 v4, v46;
	s21 =	sadd.f32 s21, s21;
	s24 =	spop (v2sf)  }
0x5c: {  	v23 =	vbroadcast v10, $0x5;
	v56 =	vsub.f32 v3, v52;
	v17 =	vsub.f32 s26, v7;
	s26 =	sadd.f32 s24, s23  }
0x5d: {  	v57 =	vsub.f32 v4, v53;
	v15 =	vmin.f32 v15, v18;
	v16 =	vsub.f32 s25, v6;
	s25 =	spop (v2sf);
	s23 =	ssub.f32 s24, s23  }
0x5e: {  	v35 =	vbroadcast v11, $0x6;
	v15 =	vmin.f32 v15, v19;
	(v2sf) =	vpush v12, $0x3;
	s21 =	smax.f32 s21, s30;
	s28 =	sadd.f32 s25, s22  }
0x5f: {  	v19 =	vsub.f32 v24, v2;
	v24 =	vbroadcast v11, $0x5;
	(v2sf) =	vpush v11, $0x3;
	s22 =	ssub.f32 s25, s22;
	s26 =	smul.f32 $5.000000000e-01, s26  }
0x60: {  	v16 =	vmul.f32 v16, v16;
	v17 =	vmul.f32 v17, v17;
	v61 =	vsub.f32 s21, v5  }
0x61: {  	v15 =	vmin.f32 v15, v59;
	(v2sf) =	vpush v9, $0x3;
	s28 =	smul.f32 $5.000000000e-01, s28;
	v63 =	vsub.f32 s26, v6;
	s26 =	smax.f32 s23, s22  }
0x62: {  	(v2sf) =	vpush v10, $0x3;
	v16 =	vadd.f32 v17, v16;
	v15 =	vmin.f32 v15, v61;
	s21 =	sadd.f32 s26, s26  }
0x63: {  	v17 =	vmin.f32 v62, v19;
	v19 =	vsub.f32 v32, v2;
	v25 =	vsub.f32 s28, v7;
	s28 =	sadd.s32 $0xFFFFFFF1, s1  }
0x64: {  	v16 =	vsub.f32 v8, v16;
	v18 =	vmul.f32 v63, v63;
	v29 =	vmov s28;
	s22 =	spop (v2sf);
	s21 =	smax.f32 s21, s30  }
0x65: {  	v20 =	vmul.f32 v25, v25;
	(v2sf) =	vpush v12, $0x4;
	s23 =	spop (v2sf);
	v28 =	vsub.f32 s21, v5  }
0x66: {  	v15 =	vmin.f32 v15, v16;
	(v2sf) =	vpush v11, $0x4;
	v16 =	vsub.f32 v30, v1;
	s24 =	spop (v2sf)  }
0x67: {  	v63 =	vbroadcast v12, $0x5;
	v30 =	vsub.f32 v4, v23;
	v18 =	vadd.f32 v20, v18;
	s26 =	sadd.f32 s24, s22  }
0x68: {  	vm0 =	vge.f32 v15, $0.0e+00;
	v15 =	vmin.f32 v17, v26;
	(v2sf) =	vpush v9, $0x4;
	s21 =	spop (v2sf);
	s22 =	ssub.f32 s24, s22  }
0x69: {  	v15 =	vmin.f32 v15, v27;
	v17 =	vnsel vm0, $0xD0, v29;
	(v2sf) =	vpush v10, $0x4;
	s28 =	sadd.f32 s21, s23  }
0x6a: {  	v27 =	vbroadcast v9, $0x5;
	v18 =	vsub.f32 v8, v18;
	vm1 =	vlt.s32 v14, v17;
	s21 =	ssub.f32 s21, s23  }
0x6b: {  	v16 =	vmin.f32 v16, v19;
	v15 =	vmin.f32 v15, v28;
	s26 =	smul.f32 $5.000000000e-01, s26;
	v14 =	vsel vm1, v14, v17  }
0x6c: {  	v17 =	vsub.f32 v42, v2;
	v28 =	vsub.f32 v3, v27;
	v15 =	vmin.f32 v15, v18;
	s25 =	smul.f32 $5.000000000e-01, s28;
	s21 =	smax.f32 s22, s21  }
0x6d: {  	s22 =	spop (v2sf);
	s28 =	sadd.s32 $0xFFFFFFF2, s1;
	(v2sf) =	vpush v12, $0x5;
	v31 =	vsub.f32 s26, v6;
	s21 =	sadd.f32 s21, s21;
	vm12 =	vge.f32 v15, $0.0e+00  }
0x6e: {  	v15 =	vsub.f32 v3, v34;
	s24 =	spop (v2sf);
	v37 =	vmov s28;
	(v2sf) =	vpush v11, $0x5  }
0x6f: {  	v33 =	vsub.f32 s25, v7;
	v40 =	vnsel vm12, $0xD0, v37;
	v18 =	vmul.f32 v31, v31;
	s21 =	smax.f32 s21, s30  }
0x70: {  	v15 =	vmin.f32 v16, v15;
	vm2 =	vlt.s32 v14, v40;
	v38 =	vsub.f32 s21, v5;
	s21 =	spop (v2sf)  }
0x71: {  	v16 =	vsub.f32 v41, v1;
	v20 =	vmul.f32 v33, v33;
	(v2sf) =	vpush v9, $0x5;
	s25 =	sadd.f32 s21, s22  }
0x72: {  	v15 =	vmin.f32 v15, v36;
	v14 =	vsel vm2, v14, v40;
	s23 =	spop (v2sf);
	s21 =	ssub.f32 s21, s22;
	(v2sf) =	vpush v10, $0x5  }
0x73: {  	v36 =	vbroadcast v9, $0x6;
	v18 =	vadd.f32 v20, v18;
	s26 =	sadd.f32 s23, s24;
	v20 =	vsub.f32 v3, v45  }
0x74: {  	v16 =	vmin.f32 v16, v17;
	v17 =	vsub.f32 v51, v2;
	v15 =	vmin.f32 v15, v38;
	s23 =	ssub.f32 s23, s24;
	s25 =	smul.f32 $5.000000000e-01, s25  }
0x75: {  	v45 =	vbroadcast v12, $0x7;
	v39 =	vsub.f32 v8, v18;
	s26 =	smul.f32 $5.000000000e-01, s26;
	v16 =	vmin.f32 v16, v20  }
0x76: {  	s21 =	smax.f32 s21, s23;
	v43 =	vsub.f32 s25, v6;
	s22 =	spop (v2sf);
	(v2sf) =	vpush v12, $0x6;
	v16 =	vmin.f32 v16, v47  }
0x77: {  	s28 =	sadd.s32 $0xFFFFFFF3, s1;
	s21 =	sadd.f32 s21, s21;
	v15 =	vmin.f32 v15, v39;
	v44 =	vsub.f32 s26, v7;
	s23 =	spop (v2sf);
	(v2sf) =	vpush v11, $0x6  }
0x78: {  	v39 =	vbroadcast v10, $0x6;
	vm3 =	vge.f32 v15, $0.0e+00;
	v15 =	vmov s28;
	s24 =	spop (v2sf)  }
0x79: {  	v18 =	vmul.f32 v43, v43;
	s21 =	smax.f32 s21, s30;
	(v2sf) =	vpush v9, $0x6;
	v19 =	vmul.f32 v44, v44;
	s26 =	ssub.f32 s24, s22  }
0x7a: {  	v15 =	vnsel vm3, $0xD0, v15;
	s25 =	spop (v2sf);
	v48 =	vsub.f32 s21, v5;
	s22 =	sadd.f32 s24, s22;
	(v2sf) =	vpush v10, $0x6  }
0x7b: {  	v41 =	vsub.f32 v4, v39;
	vm2 =	vlt.s32 v14, v15;
	s28 =	ssub.f32 s25, s23;
	v18 =	vadd.f32 v19, v18  }
0x7c: {  	s23 =	sadd.f32 s25, s23;
	v14 =	vsel vm2, v14, v15;
	v15 =	vmin.f32 v16, v48;
	s22 =	smul.f32 $5.000000000e-01, s22;
	v16 =	vsub.f32 v50, v1  }
0x7d: {  	v47 =	vbroadcast v11, $0x7;
	v19 =	vsub.f32 v24, v2;
	s24 =	spop (v2sf);
	(v2sf) =	vpush v12, $0x7  }
0x7e: {  	v50 =	vbroadcast v10, $0x7;
	s23 =	smul.f32 $5.000000000e-01, s23;
	v49 =	vsub.f32 v8, v18;
	v54 =	vsub.f32 s22, v6  }
0x7f: {  	v39 =	vsel vm3, $0x1, v0;
	s22 =	spop (v2sf);
	(v2sf) =	vpush v11, $0x7;
	v18 =	vsub.f32 v63, v1  }
0x80: {  	s21 =	smax.f32 s26, s28;
	v16 =	vmin.f32 v16, v17;
	v52 =	vsub.f32 v4, v50;
	v55 =	vsub.f32 s23, v7  }
0x81: {  	s21 =	sadd.f32 s21, s21;
	v16 =	vmin.f32 v16, v56;
	v56 =	vbroadcast v12, $0x8;
	v15 =	vmin.f32 v15, v49  }
0x82: {  	s25 =	sadd.s32 $0xFFFFFFF4, s1;
	v58 =	vmul.f32 v54, v54;
	v16 =	vmin.f32 v16, v57;
	v29 =	vmin.f32 v18, v19  }
0x83: {  	s21 =	smax.f32 s21, s30;
	v49 =	vbroadcast v9, $0x7;
	vm13 =	vge.f32 v15, $0.0e+00;
	v15 =	vmov s25;
	s23 =	spop (v2sf)  }
0x84: {  	v59 =	vmul.f32 v55, v55;
	v60 =	vsub.f32 s21, v5;
	(v2sf) =	vpush v9, $0x7;
	s26 =	sadd.f32 s23, s24  }
0x85: {  	v15 =	vnsel vm13, $0xD0, v15;
	s25 =	spop (v2sf);
	s23 =	ssub.f32 s23, s24;
	(v2sf) =	vpush v10, $0x7;
	v51 =	vsub.f32 v3, v49  }
0x86: {  	s28 =	sadd.f32 s25, s22;
	v61 =	vadd.f32 v59, v58;
	v16 =	vmin.f32 v16, v60;
	v60 =	vbroadcast v10, $0x8  }
0x87: {  	vm4 =	vlt.s32 v14, v15;
	s22 =	ssub.f32 s25, s22;
	v58 =	vbroadcast v11, $0x8;
	v59 =	vbroadcast v9, $0x8;
	s26 =	smul.f32 $5.000000000e-01, s26  }
0x88: {  	v14 =	vsel vm4, v14, v15;
	s21 =	smul.f32 $5.000000000e-01, s28;
	v62 =	vsub.f32 v8, v61;
	s28 =	sadd.s32 $0xFFFFFFF5, s1;
	v61 =	vsub.f32 v4, v60  }
0x89: {  	v25 =	vsub.f32 s26, v6;
	s26 =	smax.f32 s23, s22;
	s22 =	spop (v2sf);
	v33 =	vmov s28;
	(v2sf) =	vpush v12, $0x8  }
0x8a: {  	v26 =	vsub.f32 s21, v7;
	v15 =	vmin.f32 v16, v62;
	s23 =	spop (v2sf);
	(v2sf) =	vpush v11, $0x8  }
0x8b: {  	v16 =	vsub.f32 v35, v2;
	v62 =	vbroadcast v12, $0x9;
	v35 =	vsel vm0, $0x1, v0  }
0x8c: {  	s21 =	sadd.f32 s26, s26;
	v20 =	vmul.f32 v25, v25;
	vm14 =	vge.f32 v15, $0.0e+00;
	v15 =	vmin.f32 v29, v28  }
0x8d: {  	s24 =	spop (v2sf);
	(v2sf) =	vpush v9, $0x8;
	v28 =	vbroadcast v9, $0x9;
	v29 =	vbroadcast v10, $0x9  }
0x8e: {  	v13 =	vadd.s32 v35, v13;
	v35 =	vbroadcast v12, $0xD;
	v21 =	vmul.f32 v26, v26;
	s21 =	smax.f32 s21, s30  }
0x8f: {  	v15 =	vmin.f32 v15, v30;
	v17 =	vnsel vm14, $0xD0, v33;
	v32 =	vsub.f32 s21, v5;
	s21 =	ssub.f32 s24, s22  }
0x90: {  	s26 =	spop (v2sf);
	(v2sf) =	vpush v10, $0x8;
	v24 =	vsub.f32 v62, v1;
	v26 =	vbroadcast v11, $0x9;
	s22 =	sadd.f32 s24, s22  }
0x91: {  	v62 =	vbroadcast v12, $0xC;
	s28 =	sadd.f32 s26, s23;
	vm5 =	vlt.s32 v14, v17;
	v31 =	vadd.f32 v21, v20  }
0x92: {  	s23 =	ssub.f32 s26, s23;
	s26 =	sadd.s32 $0xFFFFFFF6, s1;
	v30 =	vsub.f32 v3, v28;
	v14 =	vsel vm5, v14, v17;
	v17 =	vsub.f32 v3, v36;
	s22 =	smul.f32 $5.000000000e-01, s22  }
0x93: {  	v40 =	vmov s26;
	v20 =	vsub.f32 v47, v2;
	s24 =	smul.f32 $5.000000000e-01, s28;
	v34 =	vsub.f32 v8, v31  }
0x94: {  	v15 =	vmin.f32 v15, v32;
	s21 =	smax.f32 s21, s23;
	v31 =	vsub.f32 v4, v29;
	v29 =	vbroadcast v9, $0xC  }
0x95: {  	s21 =	sadd.f32 s21, s21;
	v37 =	vsub.f32 s22, v6;
	v38 =	vsub.f32 s24, v7;
	s22 =	spop (v2sf);
	v15 =	vmin.f32 v15, v34  }
0x96: {  	(v2sf) =	vpush v12, $0x9;
	s23 =	spop (v2sf);
	vm15 =	vge.f32 v15, $0.0e+00;
	v15 =	vbroadcast v12, $0x6  }
0x97: {  	s21 =	smax.f32 s21, s30;
	(v2sf) =	vpush v11, $0x9;
	v18 =	vmul.f32 v37, v37;
	v19 =	vmul.f32 v38, v38;
	s25 =	spop (v2sf)  }
0x98: {  	v42 =	vsub.f32 s21, v5;
	(v2sf) =	vpush v9, $0x9;
	v37 =	vbroadcast v12, $0xA;
	s26 =	sadd.f32 s25, s22  }
0x99: {  	v38 =	vsel vm12, $0x1, v0;
	s24 =	spop (v2sf);
	v43 =	vnsel vm15, $0xD0, v40;
	s22 =	ssub.f32 s25, s22;
	(v2sf) =	vpush v10, $0x9  }
0x9a: {  	v40 =	vbroadcast v11, $0xA;
	v13 =	vadd.s32 v38, v13;
	v15 =	vsub.f32 v15, v1;
	s28 =	sadd.f32 s24, s23  }
0x9b: {  	v18 =	vadd.f32 v19, v18;
	s23 =	ssub.f32 s24, s23;
	vm7 =	vlt.s32 v14, v43;
	v19 =	vsub.f32 v58, v2;
	s26 =	smul.f32 $5.000000000e-01, s26  }
0x9c: {  	v58 =	vsel vm14, $0x1, v0;
	v13 =	vadd.s32 v39, v13;
	v39 =	vbroadcast v9, $0xD;
	s21 =	smul.f32 $5.000000000e-01, s28  }
0x9d: {  	v14 =	vsel vm7, v14, v43;
	v15 =	vmin.f32 v15, v16;
	v44 =	vsub.f32 v8, v18;
	s25 =	smax.f32 s22, s23  }
0x9e: {  	v15 =	vmin.f32 v15, v17;
	v46 =	vsub.f32 s26, v6;
	v48 =	vsub.f32 s21, v7;
	s21 =	sadd.f32 s25, s25  }
0x9f: {  	v17 =	vsub.f32 v45, v1;
	s22 =	spop (v2sf);
	s26 =	sadd.s32 $0xFFFFFFF7, s1;
	(v2sf) =	vpush v12, $0xA;
	v15 =	vmin.f32 v15, v41  }
0xa0: {  	s23 =	spop (v2sf);
	v54 =	vmov s26;
	(v2sf) =	vpush v11, $0xA;
	v15 =	vmin.f32 v15, v42;
	s21 =	smax.f32 s21, s30  }
0xa1: {  	v18 =	vmul.f32 v46, v46;
	v17 =	vmin.f32 v17, v20;
	v53 =	vsub.f32 s21, v5;
	s21 =	spop (v2sf)  }
0xa2: {  	v20 =	vsub.f32 v3, v59;
	v42 =	vbroadcast v9, $0xA;
	v46 =	vbroadcast v12, $0xB;
	s28 =	sadd.f32 s21, s22  }
0xa3: {  	v59 =	vsel vm15, $0x1, v0;
	v21 =	vmul.f32 v48, v48;
	v15 =	vmin.f32 v15, v44;
	s24 =	spop (v2sf)  }
0xa4: {  	v44 =	vbroadcast v10, $0xA;
	v48 =	vbroadcast v11, $0xB;
	vm6 =	vge.f32 v15, $0.0e+00;
	s21 =	ssub.f32 s21, s22;
	s25 =	smul.f32 $5.000000000e-01, s28  }
0xa5: {  	v15 =	vmin.f32 v17, v51;
	(v2sf) =	vpush v9, $0xA;
	v45 =	vsub.f32 v3, v42;
	s26 =	sadd.f32 s24, s23  }
0xa6: {  	v18 =	vadd.f32 v21, v18;
	v15 =	vmin.f32 v15, v52;
	v55 =	vsub.f32 s25, v6;
	s25 =	ssub.f32 s24, s23  }
0xa7: {  	v17 =	vnsel vm6, $0xD0, v54;
	(v2sf) =	vpush v10, $0xA;
	v49 =	vsub.f32 v48, v2;
	s26 =	smul.f32 $5.000000000e-01, s26;
	s23 =	spop (v2sf)  }
0xa8: {  	v52 =	vbroadcast v9, $0xB;
	v15 =	vmin.f32 v15, v53;
	vm7 =	vlt.s32 v14, v17;
	s22 =	spop (v2sf);
	s21 =	smax.f32 s21, s25  }
0xa9: {  	v18 =	vsub.f32 v8, v18;
	v14 =	vsel vm7, v14, v17;
	v17 =	vsub.f32 v56, v1;
	s24 =	spop (v2sf);
	s21 =	sadd.f32 s21, s21  }
0xaa: {  	v53 =	vsub.f32 v3, v52;
	v56 =	vsel vm13, $0x1, v0;
	v57 =	vsub.f32 s26, v7;
	s26 =	sadd.f32 s24, s23  }
0xab: {  	s28 =	sadd.s32 $0xFFFFFFF8, s1;
	v13 =	vadd.s32 v56, v13;
	v15 =	vmin.f32 v15, v18;
	(v2sf) =	vpush v12, $0xB;
	s25 =	spop (v2sf);
	s23 =	ssub.f32 s24, s23  }
0xac: {  	vm8 =	vge.f32 v15, $0.0e+00;
	v15 =	vmov s28;
	(v2sf) =	vpush v11, $0xB;
	s28 =	sadd.f32 s25, s22  }
0xad: {  	v16 =	vmul.f32 v55, v55;
	(v2sf) =	vpush v9, $0xB;
	v18 =	vmul.f32 v57, v57;
	s22 =	ssub.f32 s25, s22;
	s26 =	smul.f32 $5.000000000e-01, s26  }
0xae: {  	v56 =	vbroadcast v10, $0xE;
	v17 =	vmin.f32 v17, v19;
	(v2sf) =	vpush v10, $0xB;
	s21 =	smax.f32 s21, s30;
	s28 =	smul.f32 $5.000000000e-01, s28  }
0xaf: {  	v17 =	vmin.f32 v17, v20;
	v16 =	vadd.f32 v18, v16;
	v63 =	vsub.f32 s21, v5;
	s25 =	smax.f32 s23, s22  }
0xb0: {  	v15 =	vnsel vm8, $0xD0, v15;
	v25 =	vsub.f32 s26, v6;
	s21 =	sadd.f32 s25, s25;
	v27 =	vsub.f32 s28, v7  }
0xb1: {  	v20 =	vsub.f32 v26, v2;
	v17 =	vmin.f32 v17, v61;
	vm9 =	vlt.s32 v14, v15  }
0xb2: {  	v16 =	vsub.f32 v8, v16;
	v19 =	vmul.f32 v25, v25;
	s21 =	smax.f32 s21, s30;
	v21 =	vmul.f32 v27, v27  }
0xb3: {  	v14 =	vsel vm9, v14, v15;
	v17 =	vmin.f32 v17, v63;
	v33 =	vsub.f32 s21, v5;
	s21 =	spop (v2sf)  }
0xb4: {  	v18 =	vmin.f32 v24, v20;
	s26 =	sadd.s32 $0xFFFFFFF9, s1;
	v16 =	vmin.f32 v17, v16;
	s22 =	spop (v2sf);
	v19 =	vadd.f32 v21, v19  }
0xb5: {  	v32 =	vmin.f32 v18, v30;
	v34 =	vmov s26;
	vm7 =	vge.f32 v16, $0.0e+00;
	s23 =	spop (v2sf)  }
0xb6: {  	s28 =	sadd.s32 $0xFFFFFFFA, s1;
	v16 =	vmin.f32 v32, v31;
	(v2sf) =	vpush v12, $0xC;
	s26 =	sadd.f32 s23, s21;
	v19 =	vsub.f32 v8, v19  }
0xb7: {  	v36 =	vmov s28;
	(v2sf) =	vpush v11, $0xC;
	v16 =	vmin.f32 v16, v33;
	s25 =	spop (v2sf);
	s21 =	ssub.f32 s23, s21  }
0xb8: {  	v15 =	vnsel vm7, $0xD0, v34;
	(v2sf) =	vpush v9, $0xC;
	s28 =	sadd.f32 s25, s22;
	v16 =	vmin.f32 v16, v19  }
0xb9: {  	v13 =	vadd.s32 v58, v13;
	vm9 =	vlt.s32 v14, v15;
	s22 =	ssub.f32 s25, s22;
	s26 =	smul.f32 $5.000000000e-01, s26;
	vm11 =	vge.f32 v16, $0.0e+00  }
0xba: {  	v14 =	vsel vm9, v14, v15;
	(v2sf) =	vpush v10, $0xC;
	s23 =	spop (v2sf);
	s24 =	smul.f32 $5.000000000e-01, s28;
	v15 =	vnsel vm11, $0xD0, v36  }
0xbb: {  	v52 =	vbroadcast v11, $0xE;
	v13 =	vadd.s32 v59, v13;
	s21 =	smax.f32 s21, s22;
	s22 =	spop (v2sf);
	vm12 =	vlt.s32 v14, v15  }
0xbc: {  	v58 =	vsub.f32 v4, v56;
	s21 =	sadd.f32 s21, s21;
	v14 =	vsel vm12, v14, v15;
	v15 =	vsub.f32 s24, v7;
	s24 =	spop (v2sf)  }
0xbd: {  	v61 =	vsel vm6, $0x1, v0;
	(v2sf) =	vpush v12, $0xD;
	v41 =	vsub.f32 s26, v6;
	s26 =	sadd.f32 s24, s23  }
0xbe: {  	v13 =	vadd.s32 v61, v13;
	v20 =	vsub.f32 v40, v2;
	(v2sf) =	vpush v11, $0xD;
	s25 =	spop (v2sf);
	s23 =	ssub.f32 s24, s23  }
0xbf: {  	v24 =	vbroadcast v10, $0xB;
	v40 =	vbroadcast v10, $0xD;
	(v2sf) =	vpush v9, $0xD;
	s28 =	sadd.f32 s25, s22  }
0xc0: {  	v18 =	vsub.f32 v37, v1;
	v37 =	vbroadcast v11, $0xD;
	(v2sf) =	vpush v10, $0xD;
	s22 =	ssub.f32 s25, s22  }
0xc1: {  	v55 =	vsub.f32 v4, v24;
	v43 =	vmul.f32 v41, v41;
	v15 =	vmul.f32 v15, v15  }
0xc2: {  	v18 =	vmin.f32 v18, v20;
	v20 =	vsub.f32 v4, v44;
	v44 =	vsub.f32 v4, v40;
	s21 =	smax.f32 s21, s30;
	s22 =	smax.f32 s23, s22  }
0xc3: {  	v18 =	vmin.f32 v18, v45;
	v47 =	vsub.f32 s21, v5;
	s26 =	smul.f32 $5.000000000e-01, s26;
	v15 =	vadd.f32 v15, v43;
	s21 =	sadd.f32 s22, s22  }
0xc4: {  	v17 =	vsub.f32 v46, v1;
	v18 =	vmin.f32 v18, v20;
	v27 =	vbroadcast v11, $0xC;
	s28 =	smul.f32 $5.000000000e-01, s28  }
0xc5: {  	v31 =	vbroadcast v10, $0xC;
	v50 =	vsub.f32 s26, v6;
	s24 =	spop (v2sf);
	v15 =	vsub.f32 v8, v15;
	s21 =	smax.f32 s21, s30  }
0xc6: {  	v17 =	vmin.f32 v17, v49;
	v51 =	vsub.f32 s28, v7;
	v57 =	vsub.f32 s21, v5;
	s21 =	spop (v2sf)  }
0xc7: {  	v17 =	vmin.f32 v17, v53;
	v32 =	vsub.f32 v4, v31;
	v18 =	vmin.f32 v18, v47;
	s26 =	spop (v2sf)  }
0xc8: {  	s23 =	sadd.s32 $0xFFFFFFFB, s1;
	v21 =	vmul.f32 v50, v50;
	v22 =	vmul.f32 v51, v51;
	v15 =	vmin.f32 v18, v15;
	s22 =	sadd.f32 s26, s24  }
0xc9: {  	(v2sf) =	vpush v12, $0xE;
	vm13 =	vge.f32 v15, $0.0e+00;
	v15 =	vmov s23;
	s23 =	ssub.f32 s26, s24;
	s28 =	spop (v2sf)  }
0xca: {  	v17 =	vmin.f32 v17, v55;
	s25 =	sadd.s32 $0xFFFFFFFC, s1;
	(v2sf) =	vpush v11, $0xE;
	v54 =	vadd.f32 v22, v21;
	s26 =	sadd.f32 s28, s21;
	s22 =	smul.f32 $5.000000000e-01, s22  }
0xcb: {  	v16 =	vsub.f32 v27, v2;
	v60 =	vmov s25;
	(v2sf) =	vpush v9, $0xE;
	s21 =	ssub.f32 s28, s21  }
0xcc: {  	v17 =	vmin.f32 v17, v57;
	v20 =	vsub.f32 v8, v54;
	s24 =	smul.f32 $5.000000000e-01, s26;
	v28 =	vsub.f32 s22, v6;
	s22 =	spop (v2sf)  }
0xcd: {  	v15 =	vnsel vm13, $0xD0, v15;
	(v2sf) =	vpush v10, $0xE;
	v21 =	vsub.f32 v3, v29;
	s21 =	smax.f32 s23, s21;
	s23 =	spop (v2sf)  }
0xce: {  	vm14 =	vlt.s32 v14, v15;
	v17 =	vmin.f32 v17, v20;
	s21 =	sadd.f32 s21, s21;
	v30 =	vsub.f32 s24, v7;
	s24 =	spop (v2sf)  }
0xcf: {  	v14 =	vsel vm14, v14, v15;
	(v2sf) =	vpush v12, $0xF;
	vm15 =	vge.f32 v17, $0.0e+00;
	s25 =	spop (v2sf);
	s26 =	sadd.f32 s24, s22  }
0xd0: {  	(v2sf) =	vpush v11, $0xF;
	v15 =	vnsel vm15, $0xD0, v60;
	v19 =	vmul.f32 v28, v28;
	s28 =	sadd.f32 s25, s23  }
0xd1: {  	s21 =	smax.f32 s21, s30;
	(v2sf) =	vpush v9, $0xF;
	vm3 =	vlt.s32 v14, v15;
	v22 =	vmul.f32 v30, v30;
	s26 =	smul.f32 $5.000000000e-01, s26  }
0xd2: {  	v33 =	vsub.f32 s21, v5;
	s22 =	ssub.f32 s24, s22;
	v14 =	vsel vm3, v14, v15;
	v15 =	vsub.f32 v62, v1;
	s21 =	smul.f32 $5.000000000e-01, s28  }
0xd3: {  	v63 =	vsel vm8, $0x1, v0;
	(v2sf) =	vpush v10, $0xF;
	s23 =	ssub.f32 s25, s23;
	v19 =	vadd.f32 v22, v19  }
0xd4: {  	v15 =	vmin.f32 v15, v16;
	v36 =	vsub.f32 s26, v6;
	v38 =	vsub.f32 s21, v7  }
0xd5: {  	v18 =	vsub.f32 v35, v1;
	s25 =	smax.f32 s22, s23;
	v15 =	vmin.f32 v15, v21;
	v34 =	vsub.f32 v8, v19  }
0xd6: {  	v21 =	vsub.f32 v37, v2;
	s21 =	sadd.f32 s25, s25;
	v19 =	vmul.f32 v36, v36;
	v22 =	vmul.f32 v38, v38  }
0xd7: {  	v13 =	vadd.s32 v63, v13;
	v41 =	vsub.f32 v3, v39;
	v15 =	vmin.f32 v15, v32  }
0xd8: {  	s22 =	spop (v2sf);
	v15 =	vmin.f32 v15, v33;
	v42 =	vmin.f32 v18, v21;
	s21 =	smax.f32 s21, s30;
	v43 =	vadd.f32 v22, v19  }
0xd9: {  	v15 =	vmin.f32 v15, v34;
	v16 =	vmin.f32 v42, v41;
	v46 =	vsub.f32 s21, v5;
	s21 =	spop (v2sf)  }
0xda: {  	s26 =	sadd.s32 $0xFFFFFFFD, s1;
	vm8 =	vge.f32 v15, $0.0e+00;
	v15 =	vmin.f32 v16, v44;
	s24 =	spop (v2sf);
	v47 =	vsub.f32 v8, v43  }
0xdb: {  	v45 =	vsel vm7, $0x1, v0;
	v49 =	vmov s26;
	v15 =	vmin.f32 v15, v46;
	s26 =	sadd.f32 s24, s22  }
0xdc: {  	v13 =	vadd.s32 v45, v13;
	v55 =	vbroadcast v9, $0xE;
	s28 =	sadd.s32 $0xFFFFFFFE, s1;
	s23 =	spop (v2sf);
	s22 =	ssub.f32 s24, s22;
	v15 =	vmin.f32 v15, v47  }
0xdd: {  	v48 =	vsel vm11, $0x1, v0;
	vm10 =	vge.f32 v15, $0.0e+00;
	v15 =	vmov s28;
	s28 =	sadd.f32 s23, s21  }
0xde: {  	v13 =	vadd.s32 v48, v13;
	v50 =	vsel vm13, $0x1, v0;
	v11 =	vbroadcast v11, $0xF;
	s25 =	spop (v2sf);
	s21 =	ssub.f32 s23, s21  }
0xdf: {  	v13 =	vadd.s32 v50, v13;
	v51 =	vsel vm15, $0x1, v0;
	v9 =	vbroadcast v9, $0xF;
	s24 =	smul.f32 $5.000000000e-01, s26;
	s26 =	spop (v2sf)  }
0xe0: {  	v13 =	vadd.s32 v51, v13;
	v11 =	vsub.f32 v11, v2;
	v17 =	vnsel vm8, $0xD0, v49;
	s28 =	smul.f32 $5.000000000e-01, s28;
	s21 =	smax.f32 s22, s21  }
0xe1: {  	v10 =	vbroadcast v10, $0xF;
	v9 =	vsub.f32 v3, v9;
	vm9 =	vlt.s32 v14, v17;
	s22 =	spop (v2sf);
	s21 =	sadd.f32 s21, s21  }
0xe2: {  	v14 =	vsel vm9, v14, v17;
	v53 =	vsub.f32 s24, v6;
	v15 =	vnsel vm10, $0xD0, v15;
	s23 =	spop (v2sf);
	s24 =	sadd.f32 s22, s25  }
0xe3: {  	v10 =	vsub.f32 v4, v10;
	vm11 =	vlt.s32 v14, v15;
	v54 =	vsub.f32 s28, v7;
	s28 =	sadd.f32 s23, s26  }
0xe4: {  	v18 =	vsub.f32 v52, v2;
	v14 =	vsel vm11, v14, v15;
	v15 =	vbroadcast v12, $0xE;
	s21 =	smax.f32 s21, s30;
	s24 =	smul.f32 $5.000000000e-01, s24  }
0xe5: {  	v16 =	vsub.f32 v3, v55;
	v19 =	vmul.f32 v53, v53;
	v59 =	vsub.f32 s21, v5;
	s21 =	ssub.f32 s22, s25;
	s25 =	smul.f32 $5.000000000e-01, s28  }
0xe6: {  	v12 =	vbroadcast v12, $0xF;
	s23 =	ssub.f32 s23, s26;
	v15 =	vsub.f32 v15, v1;
	v20 =	vmul.f32 v54, v54  }
0xe7: {  	v63 =	vsel vm8, $0x1, v0;
	v60 =	vsub.f32 s24, v6;
	v61 =	vsub.f32 s25, v7  }
0xe8: {  	v12 =	vsub.f32 v12, v1;
	v15 =	vmin.f32 v15, v18;
	v57 =	vadd.f32 v20, v19;
	s21 =	smax.f32 s21, s23  }
0xe9: {  	v15 =	vmin.f32 v15, v16;
	s21 =	sadd.f32 s21, s21;
	v16 =	vmul.f32 v60, v60;
	v62 =	vmul.f32 v61, v61  }
0xea: {  	v11 =	vmin.f32 v12, v11;
	v15 =	vmin.f32 v15, v58;
	v18 =	vsub.f32 v8, v57  }
0xeb: {  	v9 =	vmin.f32 v11, v9;
	v15 =	vmin.f32 v15, v59;
	s21 =	smax.f32 s21, s30;
	v12 =	vadd.f32 v62, v16  }
0xec: {  	s28 =	sadd.s32 $0xFFFFFFFF, s1;
	v9 =	vmin.f32 v9, v10;
	v15 =	vmin.f32 v15, v18;
	v11 =	vsub.f32 s21, v5  }
0xed: {  	v10 =	vmov s28;
	vm12 =	vge.f32 v15, $0.0e+00;
	v12 =	vsub.f32 v8, v12  }
0xee: {  	p0 =	sne.s32 s1, $0xCF;
	v13 =	vadd.s32 v63, v13;
	v10 =	vnsel vm12, $0xD0, v10;
	v9 =	vmin.f32 v9, v11  }
.Ltmp0:
0xef: {  	v11 =	vsel vm10, $0x1, v0;
	vm13 =	vlt.s32 v14, v10;
	v9 =	vmin.f32 v9, v12;
	(pc) =	sbr.rel @p0 .LBB2_3-.Ltmp0, $4  }
0xf0: {  	v11 =	vadd.s32 v11, v13;
	vm14 =	vge.f32 v9, $0.0e+00;
	v9 =	vmov s1  }
0xf1: {  	v10 =	vsel vm13, v14, v10;
	v12 =	vsel vm12, $0x1, v0;
	v9 =	vnsel vm14, $0xD0, v9  }
0xf2: {  	s17 =	sadd.s32 $0x10, s17;
	s18 =	sadd.s32 $0x10, s18;
	v11 =	vadd.s32 v12, v11;
	v12 =	vsel vm14, $0x1, v0;
	vm15 =	vlt.s32 v10, v9  }
0xf3: {  	s19 =	sadd.s32 $0x10, s19;
	s20 =	sadd.s32 $0x10, s20;
	s1 =	sadd.s32 $0x10, s1;
	v13 =	vadd.s32 v12, v11;
	v14 =	vsel vm15, v10, v9  }
0xf4: {  	s31 =	sadd.s32 $0x1, s31  }
0xf5: {  	p0 =	sne.s32 s31, $0x5  }
.Ltmp1:
0xf6: {  	_ = 	snop;
	(pc) =	sbr.rel @p0 .LBB2_2-.Ltmp1, $4  }
0xf7: {  	_ = 	snop  }
0xf8: {  	vm0 =	vgt.s32 v13, $0x0  }
0xf9: {  	[tilespmem:s0+$0x780] =	vst v13;
	v1 =	vnsel vm0, $0x0, v14  }
0xfa: {  	[tilespmem:s0+$0x700] =	vst v1  }
0xfb: {  	s0 =	simm.s32 $0x700  }
0xfc: {  	[hbm4b:s13+s2] =	stream.linear.scatter [tilespmem:s0], [sflag:$0x1], $0x50, $0x38;
	[tilespmem:$0x800] =	vst v63  }
0xfd: {  	s29 =	sadd.s32 $0x1, s29;
	_ =	swait.ge [sflag:s16], $0x50  }
0xfe: {  	p0 =	sne.s32 s29, s15;
	[sflag:s16] =	ssyncset.done $0x0  }
.Ltmp2:
0xff: {  	s31 =	simm.s32 $0x780;
	[sflag:s16] =	ssyncadd.s32 $0xFFFFFFB0;
	(pc) =	sbr.rel @p0 .LBB2_1-.Ltmp2, $4  }
0x100: {  	[hbm4b:s14+s2] =	stream.linear.scatter [tilespmem:s31], [sflag:$0x1], $0x50, $0x38;
	[tilespmem:$0x800] =	vst v63  }
0x101: {  	_ =	swait.ge [sflag:s16], $0x50  }
0x102: {  	[sflag:s16] =	ssyncset.done $0x0  }
0x103: {  	[sflag:s16] =	ssyncadd.s32 $0xFFFFFFB0  }
0x104: {  	_ =	sfence.sel $0x180000  }
0x105: {  	[bflag:$0x0] =	sbarrier.arrive $0xFFFF  }
0x106: {  	_ =	strace $0x90000047  }
0x107: {  	s0 =	stileid.u32;
	[bflag:$0x2] =	sbarrier.arrive $0xFFFF  }
0x108: {  	p0 =	sne.s32 s0, $0x0;
	s0 =	rddreg [dreg:$0x3]  }
0x109: {  	s0 =	sadd.s32 @!p0 $0x100000, s0  }
0x10a: {  	[sflag:s0] =	ssyncadd.tile.s32 @!p0 $0x1;
	_ =	shalt  }
.Lfunc_end2:
_tile_overlayer_lowered:
.L_overlay_start_2:
0x10b: {  	(tag) =	ssettag $0x2  }
0x10c: {  	s0 =	rddreg [dreg:$0x0];
	s2 =	stileid.u32  }
0x10d: {  	s1 =	rddreg [dreg:$0x1];
	p0 =	sne.s32 s2, $0x0  }
0x10e: {  	s3 =	rddreg [dreg:$0x2];
	[bflag:$0x3] =	sbarrier.arrive $0xFFFF;
	s2 =	simm.s32 @!p0 $0x1C01  }
0x10f: {  	[timem:s3], [sflag:s2] =	dma.local @!p0 [hbm:s0], s1  }
0x110: {  	s0 =	simm.s32 @!p0 $0x1  }
0x111: {  	_ =	swait.ge @!p0 [sflag:s0], s1  }
0x112: {  	s1 =	ssub.s32 @!p0 $0x0, s1;
	[sflag:s0] =	ssyncset.done @!p0 $0x0  }
0x113: {  	[sflag:s0] =	ssyncadd.s32 @!p0 s1  }
0x114: {  	[bflag:$0x3] =	sbarrier.arrive $0xFFFF  }
0x115: {  	_ =	shalt  }

</sc_bundles>
